<compile_context>
chip_gen: v7x
topology: tpu7x:2x2x1
jax: 0.10.2.dev20260603
libtpu: 0.0.44.dev20260713+nightly
codegen_flags: <defaults>
</compile_context>

<pallas_src>
import functools

import jax
import jax.numpy as jnp
from jax import lax
from jax.experimental import pallas as pl
from jax.experimental.pallas import tpu as pltpu
from jax.experimental.pallas import tpu_sc as plsc

B, T, K, D = 8, 576, 8192, 256
R = B * T
NT = 3328
NS = R - NT
NW = 32
RPA = NS // NW
RPB = NT // NW
L = 16
U = 8
CH = K // L
RB = 256
BIG = 2**30


def _sc_argmin_gather_body(x_hbm, tab_hbm, out_hbm, buf, idx_v, rows_v,
                           sem0, sem1, semg):
    wid = lax.axis_index("s") * 2 + lax.axis_index("c")
    base = NT + wid * RPA
    iota = lax.iota(jnp.int32, L)
    sems = (sem0, sem1)

    def start_row(r, b):
        @pl.when(r < RPA)
        def _():
            pltpu.async_copy(x_hbm.at[base + r], buf.at[b], sems[b])

    def wait_row(b):
        pltpu.make_async_copy(x_hbm.at[base], buf.at[b], sems[b]).wait()

    start_row(0, 0)
    start_row(1, 1)

    def argmin_row(b):
        def step(g, carry):
            minvs, minis = carry
            gsplat = jnp.full((L,), g, jnp.int32)
            off = g * (U * L)
            new_v, new_i = [], []
            for j in range(U):
                v = buf[b, pl.ds(off + j * L, L)]
                c = v < minvs[j]
                new_v.append(jnp.where(c, v, minvs[j]))
                new_i.append(jnp.where(c, gsplat, minis[j]))
            return tuple(new_v), tuple(new_i)

        iv = tuple(jnp.full((L,), jnp.inf, jnp.float32) for _ in range(U))
        ii = tuple(jnp.zeros((L,), jnp.int32) for _ in range(U))
        minvs, minis = lax.fori_loop(0, CH // U, step, (iv, ii))
        mv = minvs[0]
        for j in range(1, U):
            mv = jnp.minimum(mv, minvs[j])
        m = jnp.min(mv)
        cand = jnp.full((L,), BIG, jnp.int32)
        for j in range(U):
            cj = jnp.where(
                minvs[j] == m,
                (minis[j] * U + j) * L + iota,
                jnp.full((L,), BIG, jnp.int32),
            )
            cand = jnp.minimum(cand, cj)
        return jnp.min(cand)

    def row_pair(r0, _):
        for bslot in range(2):
            r = r0 * 2 + bslot
            wait_row(bslot)
            pos = argmin_row(bslot)
            start_row(r + 2, bslot)
            plsc.store_scatter(
                idx_v,
                [jnp.full((L,), r, jnp.int32)],
                jnp.full((L,), pos, jnp.int32),
                mask=iota == 0,
            )
        return 0

    lax.fori_loop(0, RPA // 2, row_pair, 0)

    pltpu.async_copy(tab_hbm.at[idx_v], rows_v, semg).wait()
    pltpu.sync_copy(rows_v, out_hbm.at[pl.ds(base, RPA)])


def _sc_gather_body(pos_hbm, tab_hbm, out_hbm, idx_v, rows_v, sem):
    wid = lax.axis_index("s") * 2 + lax.axis_index("c")
    base = wid * RPB
    pltpu.sync_copy(pos_hbm.at[pl.ds(base, RPB)], idx_v)
    pltpu.async_copy(tab_hbm.at[idx_v], rows_v, sem).wait()
    pltpu.sync_copy(rows_v, out_hbm.at[pl.ds(base, RPB)])


def _tc_argmin_body(x_ref, o_ref):
    x = x_ref[...]
    m = jnp.min(x, axis=1, keepdims=True)
    ii = lax.broadcasted_iota(jnp.int32, (RB, K), 1)
    cand = jnp.where(x == m, ii, BIG)
    o_ref[...] = jnp.min(cand, axis=1).reshape(1, 1, RB)


@jax.jit
def _snap(x2d, tab):
    mesh = plsc.VectorSubcoreMesh(core_axis_name="c", subcore_axis_name="s")
    out_ref = jax.new_ref(jnp.zeros((R, D), jnp.float32))

    pl.kernel(
        _sc_argmin_gather_body,
        out_type=(),
        mesh=mesh,
        compiler_params=pltpu.CompilerParams(needs_layout_passes=False),
        scratch_types=[
            pltpu.VMEM((2, K), jnp.float32),
            pltpu.VMEM((RPA,), jnp.int32),
            pltpu.VMEM((RPA, D), jnp.float32),
            pltpu.SemaphoreType.DMA,
            pltpu.SemaphoreType.DMA,
            pltpu.SemaphoreType.DMA,
        ],
    )(x2d, tab, out_ref)

    pos_tc = pl.pallas_call(
        _tc_argmin_body,
        grid=(NT // RB,),
        in_specs=[pl.BlockSpec((RB, K), lambda i: (i, 0))],
        out_specs=pl.BlockSpec((1, 1, RB), lambda i: (i, 0, 0)),
        out_shape=jax.ShapeDtypeStruct((NT // RB, 1, RB), jnp.int32),
    )(x2d).reshape(NT)

    pl.kernel(
        _sc_gather_body,
        out_type=(),
        mesh=mesh,
        compiler_params=pltpu.CompilerParams(needs_layout_passes=False),
        scratch_types=[
            pltpu.VMEM((RPB,), jnp.int32),
            pltpu.VMEM((RPB, D), jnp.float32),
            pltpu.SemaphoreType.DMA,
        ],
    )(pos_tc, tab, out_ref)

    return out_ref[...]


def kernel(inputs, reference_table):
    out = _snap(inputs.reshape(R, K), reference_table)
    return out.reshape(B, T, D)

# --- scband reference (transcript-rebuilt; emitter-appended) ---
"""Pipeline reference for scband-snap-to-closest-layer-66563403153866 (READ-ONLY COPY).

The authoritative reference and input builder live on the scoring server;
editing this copy changes nothing except your own understanding.
"""

import jax, jax.numpy as jnp
import numpy as np


def setup_inputs(seed: int = 0) -> dict:
    key = jax.random.key(seed)
    k1, k2 = jax.random.split(key)
    inputs = jax.random.normal(k1, (8, 576, 8192), dtype=jnp.float32)
    reference = jax.random.normal(k2, (8192, 256), dtype=jnp.float32)
    return {"inputs": inputs, "reference": reference}


def reference(inputs, reference):
    # SnapToClosestLayer with mode='min':
    #   positions = argmin(inputs, axis=-1); output = gather(reference, positions)
    positions = jnp.argmin(inputs, axis=-1)          # int32 [8, 576]
    out = jnp.take(reference, positions, axis=0)      # [8, 576, 256]
    return out

if __name__ == "__main__":
    import jax
    _d = setup_inputs()
    print(jax.jit(kernel)(*tuple(_d.values())))

</pallas_src>

<mosaic_0001>
#map = affine_map<(d0, d1) -> (0, 0)>
module attributes {stable_mosaic.version = 14 : i64} {
  func.func @new_body(%arg0: i32, %arg1: i32, %arg2: memref<4608x8192xf32, #tpu.memory_space<hbm>>, %arg3: memref<8192x256xf32, #tpu.memory_space<hbm>>, %arg4: memref<4608x256xf32, #tpu.memory_space<hbm>>, %arg5: memref<4608x256xf32, #tpu.memory_space<hbm>>, %arg6: memref<2x8192xf32, #tpu.memory_space<vmem>>, %arg7: memref<40xi32, #tpu.memory_space<vmem>>, %arg8: memref<40x256xf32, #tpu.memory_space<vmem>>, %arg9: memref<!tpu.dma_semaphore, #tpu.memory_space<semaphore_mem>>, %arg10: memref<!tpu.dma_semaphore, #tpu.memory_space<semaphore_mem>>, %arg11: memref<!tpu.dma_semaphore, #tpu.memory_space<semaphore_mem>>) attributes {dimension_semantics = [#tpu.dimension_semantics<core_parallel>, #tpu.dimension_semantics<subcore_parallel>], iteration_bounds = array<i64: 2, 16>, scalar_prefetch = 0 : i64, scratch_operands = 6 : i64, tpu.core_type = #tpu.core_type<sc_vector_subcore>, window_params = [{transform_indices = #map}, {transform_indices = #map}, {transform_indices = #map}, {transform_indices = #map}]} {
    %mul3A = arith.constant 2 : i32
    %mul3A_0 = arith.muli %arg1, %mul3A : i32
    %add3A = arith.addi %mul3A_0, %arg0 : i32
    %mul3A_1 = arith.constant 40 : i32
    %mul3A_2 = arith.muli %add3A, %mul3A_1 : i32
    %add3A_3 = arith.constant 3328 : i32
    %add3A_4 = arith.addi %add3A_3, %mul3A_2 : i32
    %iota3A = tpu.iota {dimensions = array<i32: 0>} : vector<16xi32>
    %add3A_5 = arith.constant 0 : i32
    %add3A_6 = arith.addi %add3A_4, %add3A_5 : i32
    %dma_start3A = arith.constant 0 : i32
    %dma_start3A_7 = arith.constant 0 : i32
    %dma_start3A_8 = tpu.memref_slice %arg6[%dma_start3A, %dma_start3A_7] : memref<2x8192xf32, #tpu.memory_space<vmem>> -> memref<1x8192xf32, #tpu.memory_space<vmem>>
    %dma_start3A_9 = tpu.memref_squeeze %dma_start3A_8 : memref<1x8192xf32, #tpu.memory_space<vmem>> -> memref<8192xf32, #tpu.memory_space<vmem>>
    %dma_start3A_10 = arith.constant 0 : i32
    %dma_start3A_11 = tpu.memref_slice %arg2[%add3A_6, %dma_start3A_10] : memref<4608x8192xf32, #tpu.memory_space<hbm>> -> memref<1x8192xf32, #tpu.memory_space<hbm>>
    %dma_start3A_12 = tpu.memref_squeeze %dma_start3A_11 : memref<1x8192xf32, #tpu.memory_space<hbm>> -> memref<8192xf32, #tpu.memory_space<hbm>>
    %dma_start3A_13 = arith.constant 0 : i32
    %dma_start3A_14 = tpu.memref_slice %arg6[%dma_start3A, %dma_start3A_13] : memref<2x8192xf32, #tpu.memory_space<vmem>> -> memref<1x8192xf32, #tpu.memory_space<vmem>>
    %dma_start3A_15 = tpu.memref_squeeze %dma_start3A_14 : memref<1x8192xf32, #tpu.memory_space<vmem>> -> memref<8192xf32, #tpu.memory_space<vmem>>
    %dma_start3A_16 = arith.constant 0 : i32
    %dma_start3A_17 = tpu.memref_slice %arg2[%add3A_6, %dma_start3A_16] : memref<4608x8192xf32, #tpu.memory_space<hbm>> -> memref<1x8192xf32, #tpu.memory_space<hbm>>
    %dma_start3A_18 = tpu.memref_squeeze %dma_start3A_17 : memref<1x8192xf32, #tpu.memory_space<hbm>> -> memref<8192xf32, #tpu.memory_space<hbm>>
    tpu.enqueue_dma source(%dma_start3A_18 : memref<8192xf32, #tpu.memory_space<hbm>>) target(%dma_start3A_15 : memref<8192xf32, #tpu.memory_space<vmem>>) target_semaphore(%arg9 : memref<!tpu.dma_semaphore, #tpu.memory_space<semaphore_mem>>)
    %add3A_19 = arith.constant 1 : i32
    %add3A_20 = arith.addi %add3A_4, %add3A_19 : i32
    %dma_start3A_21 = arith.constant 1 : i32
    %dma_start3A_22 = arith.constant 0 : i32
    %dma_start3A_23 = tpu.memref_slice %arg6[%dma_start3A_21, %dma_start3A_22] : memref<2x8192xf32, #tpu.memory_space<vmem>> -> memref<1x8192xf32, #tpu.memory_space<vmem>>
    %dma_start3A_24 = tpu.memref_squeeze %dma_start3A_23 : memref<1x8192xf32, #tpu.memory_space<vmem>> -> memref<8192xf32, #tpu.memory_space<vmem>>
    %dma_start3A_25 = arith.constant 0 : i32
    %dma_start3A_26 = tpu.memref_slice %arg2[%add3A_20, %dma_start3A_25] : memref<4608x8192xf32, #tpu.memory_space<hbm>> -> memref<1x8192xf32, #tpu.memory_space<hbm>>
    %dma_start3A_27 = tpu.memref_squeeze %dma_start3A_26 : memref<1x8192xf32, #tpu.memory_space<hbm>> -> memref<8192xf32, #tpu.memory_space<hbm>>
    %dma_start3A_28 = arith.constant 0 : i32
    %dma_start3A_29 = tpu.memref_slice %arg6[%dma_start3A_21, %dma_start3A_28] : memref<2x8192xf32, #tpu.memory_space<vmem>> -> memref<1x8192xf32, #tpu.memory_space<vmem>>
    %dma_start3A_30 = tpu.memref_squeeze %dma_start3A_29 : memref<1x8192xf32, #tpu.memory_space<vmem>> -> memref<8192xf32, #tpu.memory_space<vmem>>
    %dma_start3A_31 = arith.constant 0 : i32
    %dma_start3A_32 = tpu.memref_slice %arg2[%add3A_20, %dma_start3A_31] : memref<4608x8192xf32, #tpu.memory_space<hbm>> -> memref<1x8192xf32, #tpu.memory_space<hbm>>
    %dma_start3A_33 = tpu.memref_squeeze %dma_start3A_32 : memref<1x8192xf32, #tpu.memory_space<hbm>> -> memref<8192xf32, #tpu.memory_space<hbm>>
    tpu.enqueue_dma source(%dma_start3A_33 : memref<8192xf32, #tpu.memory_space<hbm>>) target(%dma_start3A_30 : memref<8192xf32, #tpu.memory_space<vmem>>) target_semaphore(%arg10 : memref<!tpu.dma_semaphore, #tpu.memory_space<semaphore_mem>>)
    %scan3A = arith.constant 0 : i32
    %scan3A_34 = arith.constant 0 : i32
    %scan3A_35 = arith.constant 20 : i32
    %scan3A_36 = arith.addi %scan3A_34, %scan3A_35 : i32
    %scan3A_37 = arith.constant 1 : i32
    %scan3A_38 = scf.for %scan3A_45 = %scan3A_34 to %scan3A_36 step %scan3A_37 iter_args(%scan3A_46 = %scan3A) -> (i32)  : i32 {
      %mul3A_47 = arith.constant 2 : i32
      %mul3A_48 = arith.muli %scan3A_45, %mul3A_47 : i32
      %add3A_49 = arith.constant 0 : i32
      %add3A_50 = arith.addi %mul3A_48, %add3A_49 : i32
      %dma_wait3A_51 = arith.constant 0 : i32
      %dma_wait3A_52 = arith.constant 0 : i32
      %dma_wait3A_53 = tpu.memref_slice %arg6[%dma_wait3A_51, %dma_wait3A_52] : memref<2x8192xf32, #tpu.memory_space<vmem>> -> memref<1x8192xf32, #tpu.memory_space<vmem>>
      %dma_wait3A_54 = tpu.memref_squeeze %dma_wait3A_53 : memref<1x8192xf32, #tpu.memory_space<vmem>> -> memref<8192xf32, #tpu.memory_space<vmem>>
      %dma_wait3A_55 = arith.constant 0 : i32
      %dma_wait3A_56 = tpu.memref_slice %arg2[%add3A_4, %dma_wait3A_55] : memref<4608x8192xf32, #tpu.memory_space<hbm>> -> memref<1x8192xf32, #tpu.memory_space<hbm>>
      %dma_wait3A_57 = tpu.memref_squeeze %dma_wait3A_56 : memref<1x8192xf32, #tpu.memory_space<hbm>> -> memref<8192xf32, #tpu.memory_space<hbm>>
      %dma_wait3A_58 = arith.constant 0 : i32
      %dma_wait3A_59 = tpu.memref_slice %arg6[%dma_wait3A_51, %dma_wait3A_58] : memref<2x8192xf32, #tpu.memory_space<vmem>> -> memref<1x8192xf32, #tpu.memory_space<vmem>>
      %dma_wait3A_60 = tpu.memref_squeeze %dma_wait3A_59 : memref<1x8192xf32, #tpu.memory_space<vmem>> -> memref<8192xf32, #tpu.memory_space<vmem>>
      %dma_wait3A_61 = arith.constant 0 : i32
      %dma_wait3A_62 = tpu.memref_slice %arg2[%add3A_4, %dma_wait3A_61] : memref<4608x8192xf32, #tpu.memory_space<hbm>> -> memref<1x8192xf32, #tpu.memory_space<hbm>>
      %dma_wait3A_63 = tpu.memref_squeeze %dma_wait3A_62 : memref<1x8192xf32, #tpu.memory_space<hbm>> -> memref<8192xf32, #tpu.memory_space<hbm>>
      tpu.wait_dma2 semaphore(%arg9 : memref<!tpu.dma_semaphore, #tpu.memory_space<semaphore_mem>>) src(%dma_wait3A_63 : memref<8192xf32, #tpu.memory_space<hbm>>) dst(%dma_wait3A_60 : memref<8192xf32, #tpu.memory_space<vmem>>)
      %broadcast_in_dim3A = arith.constant 0x7F800000 : f32
      %broadcast_in_dim3A_64 = vector.broadcast %broadcast_in_dim3A : f32 to vector<16xf32>
      %broadcast_in_dim3A_65 = arith.constant 0x7F800000 : f32
      %broadcast_in_dim3A_66 = vector.broadcast %broadcast_in_dim3A_65 : f32 to vector<16xf32>
      %broadcast_in_dim3A_67 = arith.constant 0x7F800000 : f32
      %broadcast_in_dim3A_68 = vector.broadcast %broadcast_in_dim3A_67 : f32 to vector<16xf32>
      %broadcast_in_dim3A_69 = arith.constant 0x7F800000 : f32
      %broadcast_in_dim3A_70 = vector.broadcast %broadcast_in_dim3A_69 : f32 to vector<16xf32>
      %broadcast_in_dim3A_71 = arith.constant 0x7F800000 : f32
      %broadcast_in_dim3A_72 = vector.broadcast %broadcast_in_dim3A_71 : f32 to vector<16xf32>
      %broadcast_in_dim3A_73 = arith.constant 0x7F800000 : f32
      %broadcast_in_dim3A_74 = vector.broadcast %broadcast_in_dim3A_73 : f32 to vector<16xf32>
      %broadcast_in_dim3A_75 = arith.constant 0x7F800000 : f32
      %broadcast_in_dim3A_76 = vector.broadcast %broadcast_in_dim3A_75 : f32 to vector<16xf32>
      %broadcast_in_dim3A_77 = arith.constant 0x7F800000 : f32
      %broadcast_in_dim3A_78 = vector.broadcast %broadcast_in_dim3A_77 : f32 to vector<16xf32>
      %broadcast_in_dim3A_79 = arith.constant 0 : i32
      %broadcast_in_dim3A_80 = vector.broadcast %broadcast_in_dim3A_79 : i32 to vector<16xi32>
      %broadcast_in_dim3A_81 = arith.constant 0 : i32
      %broadcast_in_dim3A_82 = vector.broadcast %broadcast_in_dim3A_81 : i32 to vector<16xi32>
      %broadcast_in_dim3A_83 = arith.constant 0 : i32
      %broadcast_in_dim3A_84 = vector.broadcast %broadcast_in_dim3A_83 : i32 to vector<16xi32>
      %broadcast_in_dim3A_85 = arith.constant 0 : i32
      %broadcast_in_dim3A_86 = vector.broadcast %broadcast_in_dim3A_85 : i32 to vector<16xi32>
      %broadcast_in_dim3A_87 = arith.constant 0 : i32
      %broadcast_in_dim3A_88 = vector.broadcast %broadcast_in_dim3A_87 : i32 to vector<16xi32>
      %broadcast_in_dim3A_89 = arith.constant 0 : i32
      %broadcast_in_dim3A_90 = vector.broadcast %broadcast_in_dim3A_89 : i32 to vector<16xi32>
      %broadcast_in_dim3A_91 = arith.constant 0 : i32
      %broadcast_in_dim3A_92 = vector.broadcast %broadcast_in_dim3A_91 : i32 to vector<16xi32>
      %broadcast_in_dim3A_93 = arith.constant 0 : i32
      %broadcast_in_dim3A_94 = vector.broadcast %broadcast_in_dim3A_93 : i32 to vector<16xi32>
      %scan3A_95 = arith.constant 0 : i32
      %scan3A_96 = arith.constant 64 : i32
      %scan3A_97 = arith.addi %scan3A_95, %scan3A_96 : i32
      %scan3A_98 = arith.constant 1 : i32
      %scan3A_99:16 = scf.for %scan3A_472 = %scan3A_95 to %scan3A_97 step %scan3A_98 iter_args(%scan3A_473 = %broadcast_in_dim3A_64, %scan3A_474 = %broadcast_in_dim3A_66, %scan3A_475 = %broadcast_in_dim3A_68, %scan3A_476 = %broadcast_in_dim3A_70, %scan3A_477 = %broadcast_in_dim3A_72, %scan3A_478 = %broadcast_in_dim3A_74, %scan3A_479 = %broadcast_in_dim3A_76, %scan3A_480 = %broadcast_in_dim3A_78, %scan3A_481 = %broadcast_in_dim3A_80, %scan3A_482 = %broadcast_in_dim3A_82, %scan3A_483 = %broadcast_in_dim3A_84, %scan3A_484 = %broadcast_in_dim3A_86, %scan3A_485 = %broadcast_in_dim3A_88, %scan3A_486 = %broadcast_in_dim3A_90, %scan3A_487 = %broadcast_in_dim3A_92, %scan3A_488 = %broadcast_in_dim3A_94) -> (vector<16xf32>, vector<16xf32>, vector<16xf32>, vector<16xf32>, vector<16xf32>, vector<16xf32>, vector<16xf32>, vector<16xf32>, vector<16xi32>, vector<16xi32>, vector<16xi32>, vector<16xi32>, vector<16xi32>, vector<16xi32>, vector<16xi32>, vector<16xi32>)  : i32 {
        %broadcast_in_dim3A_489 = vector.broadcast %scan3A_472 : i32 to vector<16xi32>
        %mul3A_490 = arith.constant 128 : i32
        %mul3A_491 = arith.muli %scan3A_472, %mul3A_490 : i32
        %add3A_492 = arith.constant 0 : i32
        %add3A_493 = arith.addi %mul3A_491, %add3A_492 : i32
        %get3A = arith.constant 0 : i32
        %get3A_494 = arith.index_cast %get3A : i32 to index
        %get3A_495 = arith.index_cast %add3A_493 : i32 to index
        %get3A_496 = tpu.vector_load %arg6[%get3A_494, %get3A_495] {strides = array<i32>} : memref<2x8192xf32, #tpu.memory_space<vmem>>, vector<16xf32>,
        %lt3A_497 = arith.cmpf olt, %get3A_496, %scan3A_473 : vector<16xf32>
        %select_n3A_498 = arith.select %lt3A_497, %get3A_496, %scan3A_473 : vector<16xi1>, vector<16xf32>
        %select_n3A_499 = arith.select %lt3A_497, %broadcast_in_dim3A_489, %scan3A_481 : vector<16xi1>, vector<16xi32>
        %add3A_500 = arith.constant 16 : i32
        %add3A_501 = arith.addi %mul3A_491, %add3A_500 : i32
        %get3A_502 = arith.constant 0 : i32
        %get3A_503 = arith.index_cast %get3A_502 : i32 to index
        %get3A_504 = arith.index_cast %add3A_501 : i32 to index
        %get3A_505 = tpu.vector_load %arg6[%get3A_503, %get3A_504] {strides = array<i32>} : memref<2x8192xf32, #tpu.memory_space<vmem>>, vector<16xf32>,
        %lt3A_506 = arith.cmpf olt, %get3A_505, %scan3A_474 : vector<16xf32>
        %select_n3A_507 = arith.select %lt3A_506, %get3A_505, %scan3A_474 : vector<16xi1>, vector<16xf32>
        %select_n3A_508 = arith.select %lt3A_506, %broadcast_in_dim3A_489, %scan3A_482 : vector<16xi1>, vector<16xi32>
        %add3A_509 = arith.constant 32 : i32
        %add3A_510 = arith.addi %mul3A_491, %add3A_509 : i32
        %get3A_511 = arith.constant 0 : i32
        %get3A_512 = arith.index_cast %get3A_511 : i32 to index
        %get3A_513 = arith.index_cast %add3A_510 : i32 to index
        %get3A_514 = tpu.vector_load %arg6[%get3A_512, %get3A_513] {strides = array<i32>} : memref<2x8192xf32, #tpu.memory_space<vmem>>, vector<16xf32>,
        %lt3A_515 = arith.cmpf olt, %get3A_514, %scan3A_475 : vector<16xf32>
        %select_n3A_516 = arith.select %lt3A_515, %get3A_514, %scan3A_475 : vector<16xi1>, vector<16xf32>
        %select_n3A_517 = arith.select %lt3A_515, %broadcast_in_dim3A_489, %scan3A_483 : vector<16xi1>, vector<16xi32>
        %add3A_518 = arith.constant 48 : i32
        %add3A_519 = arith.addi %mul3A_491, %add3A_518 : i32
        %get3A_520 = arith.constant 0 : i32
        %get3A_521 = arith.index_cast %get3A_520 : i32 to index
        %get3A_522 = arith.index_cast %add3A_519 : i32 to index
        %get3A_523 = tpu.vector_load %arg6[%get3A_521, %get3A_522] {strides = array<i32>} : memref<2x8192xf32, #tpu.memory_space<vmem>>, vector<16xf32>,
        %lt3A_524 = arith.cmpf olt, %get3A_523, %scan3A_476 : vector<16xf32>
        %select_n3A_525 = arith.select %lt3A_524, %get3A_523, %scan3A_476 : vector<16xi1>, vector<16xf32>
        %select_n3A_526 = arith.select %lt3A_524, %broadcast_in_dim3A_489, %scan3A_484 : vector<16xi1>, vector<16xi32>
        %add3A_527 = arith.constant 64 : i32
        %add3A_528 = arith.addi %mul3A_491, %add3A_527 : i32
        %get3A_529 = arith.constant 0 : i32
        %get3A_530 = arith.index_cast %get3A_529 : i32 to index
        %get3A_531 = arith.index_cast %add3A_528 : i32 to index
        %get3A_532 = tpu.vector_load %arg6[%get3A_530, %get3A_531] {strides = array<i32>} : memref<2x8192xf32, #tpu.memory_space<vmem>>, vector<16xf32>,
        %lt3A_533 = arith.cmpf olt, %get3A_532, %scan3A_477 : vector<16xf32>
        %select_n3A_534 = arith.select %lt3A_533, %get3A_532, %scan3A_477 : vector<16xi1>, vector<16xf32>
        %select_n3A_535 = arith.select %lt3A_533, %broadcast_in_dim3A_489, %scan3A_485 : vector<16xi1>, vector<16xi32>
        %add3A_536 = arith.constant 80 : i32
        %add3A_537 = arith.addi %mul3A_491, %add3A_536 : i32
        %get3A_538 = arith.constant 0 : i32
        %get3A_539 = arith.index_cast %get3A_538 : i32 to index
        %get3A_540 = arith.index_cast %add3A_537 : i32 to index
        %get3A_541 = tpu.vector_load %arg6[%get3A_539, %get3A_540] {strides = array<i32>} : memref<2x8192xf32, #tpu.memory_space<vmem>>, vector<16xf32>,
        %lt3A_542 = arith.cmpf olt, %get3A_541, %scan3A_478 : vector<16xf32>
        %select_n3A_543 = arith.select %lt3A_542, %get3A_541, %scan3A_478 : vector<16xi1>, vector<16xf32>
        %select_n3A_544 = arith.select %lt3A_542, %broadcast_in_dim3A_489, %scan3A_486 : vector<16xi1>, vector<16xi32>
        %add3A_545 = arith.constant 96 : i32
        %add3A_546 = arith.addi %mul3A_491, %add3A_545 : i32
        %get3A_547 = arith.constant 0 : i32
        %get3A_548 = arith.index_cast %get3A_547 : i32 to index
        %get3A_549 = arith.index_cast %add3A_546 : i32 to index
        %get3A_550 = tpu.vector_load %arg6[%get3A_548, %get3A_549] {strides = array<i32>} : memref<2x8192xf32, #tpu.memory_space<vmem>>, vector<16xf32>,
        %lt3A_551 = arith.cmpf olt, %get3A_550, %scan3A_479 : vector<16xf32>
        %select_n3A_552 = arith.select %lt3A_551, %get3A_550, %scan3A_479 : vector<16xi1>, vector<16xf32>
        %select_n3A_553 = arith.select %lt3A_551, %broadcast_in_dim3A_489, %scan3A_487 : vector<16xi1>, vector<16xi32>
        %add3A_554 = arith.constant 112 : i32
        %add3A_555 = arith.addi %mul3A_491, %add3A_554 : i32
        %get3A_556 = arith.constant 0 : i32
        %get3A_557 = arith.index_cast %get3A_556 : i32 to index
        %get3A_558 = arith.index_cast %add3A_555 : i32 to index
        %get3A_559 = tpu.vector_load %arg6[%get3A_557, %get3A_558] {strides = array<i32>} : memref<2x8192xf32, #tpu.memory_space<vmem>>, vector<16xf32>,
        %lt3A_560 = arith.cmpf olt, %get3A_559, %scan3A_480 : vector<16xf32>
        %select_n3A_561 = arith.select %lt3A_560, %get3A_559, %scan3A_480 : vector<16xi1>, vector<16xf32>
        %select_n3A_562 = arith.select %lt3A_560, %broadcast_in_dim3A_489, %scan3A_488 : vector<16xi1>, vector<16xi32>
        scf.yield %select_n3A_498, %select_n3A_507, %select_n3A_516, %select_n3A_525, %select_n3A_534, %select_n3A_543, %select_n3A_552, %select_n3A_561, %select_n3A_499, %select_n3A_508, %select_n3A_517, %select_n3A_526, %select_n3A_535, %select_n3A_544, %select_n3A_553, %select_n3A_562 : vector<16xf32>, vector<16xf32>, vector<16xf32>, vector<16xf32>, vector<16xf32>, vector<16xf32>, vector<16xf32>, vector<16xf32>, vector<16xi32>, vector<16xi32>, vector<16xi32>, vector<16xi32>, vector<16xi32>, vector<16xi32>, vector<16xi32>, vector<16xi32>
      }
      %scan3A_100 = arith.constant 64 : i32
      %min3A = arith.minimumf %scan3A_99#0, %scan3A_99#1 : vector<16xf32>
      %min3A_101 = arith.minimumf %min3A, %scan3A_99#2 : vector<16xf32>
      %min3A_102 = arith.minimumf %min3A_101, %scan3A_99#3 : vector<16xf32>
      %min3A_103 = arith.minimumf %min3A_102, %scan3A_99#4 : vector<16xf32>
      %min3A_104 = arith.minimumf %min3A_103, %scan3A_99#5 : vector<16xf32>
      %min3A_105 = arith.minimumf %min3A_104, %scan3A_99#6 : vector<16xf32>
      %min3A_106 = arith.minimumf %min3A_105, %scan3A_99#7 : vector<16xf32>
      %reduce_min3A = arith.constant true
      %reduce_min3A_107 = vector.broadcast %reduce_min3A : i1 to vector<16xi1>
      %reduce_min3A_108 = tpu.scan <min>, %min3A_106 masked %reduce_min3A_107 : vector<16xf32>, vector<16xi1> -> vector<16xf32>
      %reduce_min3A_109 = vector.extract %reduce_min3A_108[15] : f32 from vector<16xf32>
      %broadcast_in_dim3A_110 = arith.constant 1073741824 : i32
      %broadcast_in_dim3A_111 = vector.broadcast %broadcast_in_dim3A_110 : i32 to vector<16xi32>
      %eq3A = vector.broadcast %reduce_min3A_109 : f32 to vector<16xf32>
      %eq3A_112 = arith.cmpf oeq, %scan3A_99#0, %eq3A : vector<16xf32>
      %mul3A_113 = arith.constant 8 : i32
      %mul3A_114 = vector.broadcast %mul3A_113 : i32 to vector<16xi32>
      %mul3A_115 = arith.muli %scan3A_99#8, %mul3A_114 : vector<16xi32>
      %add3A_116 = arith.constant 0 : i32
      %add3A_117 = vector.broadcast %add3A_116 : i32 to vector<16xi32>
      %add3A_118 = arith.addi %mul3A_115, %add3A_117 : vector<16xi32>
      %mul3A_119 = arith.constant 16 : i32
      %mul3A_120 = vector.broadcast %mul3A_119 : i32 to vector<16xi32>
      %mul3A_121 = arith.muli %add3A_118, %mul3A_120 : vector<16xi32>
      %add3A_122 = arith.addi %mul3A_121, %iota3A : vector<16xi32>
      %broadcast_in_dim3A_123 = arith.constant 1073741824 : i32
      %broadcast_in_dim3A_124 = vector.broadcast %broadcast_in_dim3A_123 : i32 to vector<16xi32>
      %select_n3A = arith.select %eq3A_112, %add3A_122, %broadcast_in_dim3A_124 : vector<16xi1>, vector<16xi32>
      %min3A_125 = arith.minsi %broadcast_in_dim3A_111, %select_n3A : vector<16xi32>
      %eq3A_126 = vector.broadcast %reduce_min3A_109 : f32 to vector<16xf32>
      %eq3A_127 = arith.cmpf oeq, %scan3A_99#1, %eq3A_126 : vector<16xf32>
      %mul3A_128 = arith.constant 8 : i32
      %mul3A_129 = vector.broadcast %mul3A_128 : i32 to vector<16xi32>
      %mul3A_130 = arith.muli %scan3A_99#9, %mul3A_129 : vector<16xi32>
      %add3A_131 = arith.constant 1 : i32
      %add3A_132 = vector.broadcast %add3A_131 : i32 to vector<16xi32>
      %add3A_133 = arith.addi %mul3A_130, %add3A_132 : vector<16xi32>
      %mul3A_134 = arith.constant 16 : i32
      %mul3A_135 = vector.broadcast %mul3A_134 : i32 to vector<16xi32>
      %mul3A_136 = arith.muli %add3A_133, %mul3A_135 : vector<16xi32>
      %add3A_137 = arith.addi %mul3A_136, %iota3A : vector<16xi32>
      %broadcast_in_dim3A_138 = arith.constant 1073741824 : i32
      %broadcast_in_dim3A_139 = vector.broadcast %broadcast_in_dim3A_138 : i32 to vector<16xi32>
      %select_n3A_140 = arith.select %eq3A_127, %add3A_137, %broadcast_in_dim3A_139 : vector<16xi1>, vector<16xi32>
      %min3A_141 = arith.minsi %min3A_125, %select_n3A_140 : vector<16xi32>
      %eq3A_142 = vector.broadcast %reduce_min3A_109 : f32 to vector<16xf32>
      %eq3A_143 = arith.cmpf oeq, %scan3A_99#2, %eq3A_142 : vector<16xf32>
      %mul3A_144 = arith.constant 8 : i32
      %mul3A_145 = vector.broadcast %mul3A_144 : i32 to vector<16xi32>
      %mul3A_146 = arith.muli %scan3A_99#10, %mul3A_145 : vector<16xi32>
      %add3A_147 = arith.constant 2 : i32
      %add3A_148 = vector.broadcast %add3A_147 : i32 to vector<16xi32>
      %add3A_149 = arith.addi %mul3A_146, %add3A_148 : vector<16xi32>
      %mul3A_150 = arith.constant 16 : i32
      %mul3A_151 = vector.broadcast %mul3A_150 : i32 to vector<16xi32>
      %mul3A_152 = arith.muli %add3A_149, %mul3A_151 : vector<16xi32>
      %add3A_153 = arith.addi %mul3A_152, %iota3A : vector<16xi32>
      %broadcast_in_dim3A_154 = arith.constant 1073741824 : i32
      %broadcast_in_dim3A_155 = vector.broadcast %broadcast_in_dim3A_154 : i32 to vector<16xi32>
      %select_n3A_156 = arith.select %eq3A_143, %add3A_153, %broadcast_in_dim3A_155 : vector<16xi1>, vector<16xi32>
      %min3A_157 = arith.minsi %min3A_141, %select_n3A_156 : vector<16xi32>
      %eq3A_158 = vector.broadcast %reduce_min3A_109 : f32 to vector<16xf32>
      %eq3A_159 = arith.cmpf oeq, %scan3A_99#3, %eq3A_158 : vector<16xf32>
      %mul3A_160 = arith.constant 8 : i32
      %mul3A_161 = vector.broadcast %mul3A_160 : i32 to vector<16xi32>
      %mul3A_162 = arith.muli %scan3A_99#11, %mul3A_161 : vector<16xi32>
      %add3A_163 = arith.constant 3 : i32
      %add3A_164 = vector.broadcast %add3A_163 : i32 to vector<16xi32>
      %add3A_165 = arith.addi %mul3A_162, %add3A_164 : vector<16xi32>
      %mul3A_166 = arith.constant 16 : i32
      %mul3A_167 = vector.broadcast %mul3A_166 : i32 to vector<16xi32>
      %mul3A_168 = arith.muli %add3A_165, %mul3A_167 : vector<16xi32>
      %add3A_169 = arith.addi %mul3A_168, %iota3A : vector<16xi32>
      %broadcast_in_dim3A_170 = arith.constant 1073741824 : i32
      %broadcast_in_dim3A_171 = vector.broadcast %broadcast_in_dim3A_170 : i32 to vector<16xi32>
      %select_n3A_172 = arith.select %eq3A_159, %add3A_169, %broadcast_in_dim3A_171 : vector<16xi1>, vector<16xi32>
      %min3A_173 = arith.minsi %min3A_157, %select_n3A_172 : vector<16xi32>
      %eq3A_174 = vector.broadcast %reduce_min3A_109 : f32 to vector<16xf32>
      %eq3A_175 = arith.cmpf oeq, %scan3A_99#4, %eq3A_174 : vector<16xf32>
      %mul3A_176 = arith.constant 8 : i32
      %mul3A_177 = vector.broadcast %mul3A_176 : i32 to vector<16xi32>
      %mul3A_178 = arith.muli %scan3A_99#12, %mul3A_177 : vector<16xi32>
      %add3A_179 = arith.constant 4 : i32
      %add3A_180 = vector.broadcast %add3A_179 : i32 to vector<16xi32>
      %add3A_181 = arith.addi %mul3A_178, %add3A_180 : vector<16xi32>
      %mul3A_182 = arith.constant 16 : i32
      %mul3A_183 = vector.broadcast %mul3A_182 : i32 to vector<16xi32>
      %mul3A_184 = arith.muli %add3A_181, %mul3A_183 : vector<16xi32>
      %add3A_185 = arith.addi %mul3A_184, %iota3A : vector<16xi32>
      %broadcast_in_dim3A_186 = arith.constant 1073741824 : i32
      %broadcast_in_dim3A_187 = vector.broadcast %broadcast_in_dim3A_186 : i32 to vector<16xi32>
      %select_n3A_188 = arith.select %eq3A_175, %add3A_185, %broadcast_in_dim3A_187 : vector<16xi1>, vector<16xi32>
      %min3A_189 = arith.minsi %min3A_173, %select_n3A_188 : vector<16xi32>
      %eq3A_190 = vector.broadcast %reduce_min3A_109 : f32 to vector<16xf32>
      %eq3A_191 = arith.cmpf oeq, %scan3A_99#5, %eq3A_190 : vector<16xf32>
      %mul3A_192 = arith.constant 8 : i32
      %mul3A_193 = vector.broadcast %mul3A_192 : i32 to vector<16xi32>
      %mul3A_194 = arith.muli %scan3A_99#13, %mul3A_193 : vector<16xi32>
      %add3A_195 = arith.constant 5 : i32
      %add3A_196 = vector.broadcast %add3A_195 : i32 to vector<16xi32>
      %add3A_197 = arith.addi %mul3A_194, %add3A_196 : vector<16xi32>
      %mul3A_198 = arith.constant 16 : i32
      %mul3A_199 = vector.broadcast %mul3A_198 : i32 to vector<16xi32>
      %mul3A_200 = arith.muli %add3A_197, %mul3A_199 : vector<16xi32>
      %add3A_201 = arith.addi %mul3A_200, %iota3A : vector<16xi32>
      %broadcast_in_dim3A_202 = arith.constant 1073741824 : i32
      %broadcast_in_dim3A_203 = vector.broadcast %broadcast_in_dim3A_202 : i32 to vector<16xi32>
      %select_n3A_204 = arith.select %eq3A_191, %add3A_201, %broadcast_in_dim3A_203 : vector<16xi1>, vector<16xi32>
      %min3A_205 = arith.minsi %min3A_189, %select_n3A_204 : vector<16xi32>
      %eq3A_206 = vector.broadcast %reduce_min3A_109 : f32 to vector<16xf32>
      %eq3A_207 = arith.cmpf oeq, %scan3A_99#6, %eq3A_206 : vector<16xf32>
      %mul3A_208 = arith.constant 8 : i32
      %mul3A_209 = vector.broadcast %mul3A_208 : i32 to vector<16xi32>
      %mul3A_210 = arith.muli %scan3A_99#14, %mul3A_209 : vector<16xi32>
      %add3A_211 = arith.constant 6 : i32
      %add3A_212 = vector.broadcast %add3A_211 : i32 to vector<16xi32>
      %add3A_213 = arith.addi %mul3A_210, %add3A_212 : vector<16xi32>
      %mul3A_214 = arith.constant 16 : i32
      %mul3A_215 = vector.broadcast %mul3A_214 : i32 to vector<16xi32>
      %mul3A_216 = arith.muli %add3A_213, %mul3A_215 : vector<16xi32>
      %add3A_217 = arith.addi %mul3A_216, %iota3A : vector<16xi32>
      %broadcast_in_dim3A_218 = arith.constant 1073741824 : i32
      %broadcast_in_dim3A_219 = vector.broadcast %broadcast_in_dim3A_218 : i32 to vector<16xi32>
      %select_n3A_220 = arith.select %eq3A_207, %add3A_217, %broadcast_in_dim3A_219 : vector<16xi1>, vector<16xi32>
      %min3A_221 = arith.minsi %min3A_205, %select_n3A_220 : vector<16xi32>
      %eq3A_222 = vector.broadcast %reduce_min3A_109 : f32 to vector<16xf32>
      %eq3A_223 = arith.cmpf oeq, %scan3A_99#7, %eq3A_222 : vector<16xf32>
      %mul3A_224 = arith.constant 8 : i32
      %mul3A_225 = vector.broadcast %mul3A_224 : i32 to vector<16xi32>
      %mul3A_226 = arith.muli %scan3A_99#15, %mul3A_225 : vector<16xi32>
      %add3A_227 = arith.constant 7 : i32
      %add3A_228 = vector.broadcast %add3A_227 : i32 to vector<16xi32>
      %add3A_229 = arith.addi %mul3A_226, %add3A_228 : vector<16xi32>
      %mul3A_230 = arith.constant 16 : i32
      %mul3A_231 = vector.broadcast %mul3A_230 : i32 to vector<16xi32>
      %mul3A_232 = arith.muli %add3A_229, %mul3A_231 : vector<16xi32>
      %add3A_233 = arith.addi %mul3A_232, %iota3A : vector<16xi32>
      %broadcast_in_dim3A_234 = arith.constant 1073741824 : i32
      %broadcast_in_dim3A_235 = vector.broadcast %broadcast_in_dim3A_234 : i32 to vector<16xi32>
      %select_n3A_236 = arith.select %eq3A_223, %add3A_233, %broadcast_in_dim3A_235 : vector<16xi1>, vector<16xi32>
      %min3A_237 = arith.minsi %min3A_221, %select_n3A_236 : vector<16xi32>
      %reduce_min3A_238 = arith.constant true
      %reduce_min3A_239 = vector.broadcast %reduce_min3A_238 : i1 to vector<16xi1>
      %reduce_min3A_240 = arith.constant -2147483648 : i32
      %reduce_min3A_241 = vector.broadcast %reduce_min3A_240 : i32 to vector<16xi32>
      %reduce_min3A_242 = arith.xori %min3A_237, %reduce_min3A_241 : vector<16xi32>
      %reduce_min3A_243 = tpu.scan <min>, %reduce_min3A_242 masked %reduce_min3A_239 : vector<16xi32>, vector<16xi1> -> vector<16xi32>
      %reduce_min3A_244 = arith.xori %reduce_min3A_243, %reduce_min3A_241 : vector<16xi32>
      %reduce_min3A_245 = vector.extract %reduce_min3A_244[15] : i32 from vector<16xi32>
      %add3A_246 = arith.constant 2 : i32
      %add3A_247 = arith.addi %add3A_50, %add3A_246 : i32
      %lt3A = arith.constant 40 : i32
      %lt3A_248 = arith.cmpi slt, %add3A_247, %lt3A : i32
      %convert_element_type3A = arith.extui %lt3A_248 : i1 to i32
      %cond3A = arith.constant 0 : i32
      %cond3A_249 = arith.cmpi ne, %convert_element_type3A, %cond3A : i32
      scf.if %cond3A_249 {
        %add3A_472 = arith.addi %add3A_4, %add3A_247 : i32
        %dma_start3A_473 = arith.constant 0 : i32
        %dma_start3A_474 = arith.constant 0 : i32
        %dma_start3A_475 = tpu.memref_slice %arg6[%dma_start3A_473, %dma_start3A_474] : memref<2x8192xf32, #tpu.memory_space<vmem>> -> memref<1x8192xf32, #tpu.memory_space<vmem>>
        %dma_start3A_476 = tpu.memref_squeeze %dma_start3A_475 : memref<1x8192xf32, #tpu.memory_space<vmem>> -> memref<8192xf32, #tpu.memory_space<vmem>>
        %dma_start3A_477 = arith.constant 0 : i32
        %dma_start3A_478 = tpu.memref_slice %arg2[%add3A_472, %dma_start3A_477] : memref<4608x8192xf32, #tpu.memory_space<hbm>> -> memref<1x8192xf32, #tpu.memory_space<hbm>>
        %dma_start3A_479 = tpu.memref_squeeze %dma_start3A_478 : memref<1x8192xf32, #tpu.memory_space<hbm>> -> memref<8192xf32, #tpu.memory_space<hbm>>
        %dma_start3A_480 = arith.constant 0 : i32
        %dma_start3A_481 = tpu.memref_slice %arg6[%dma_start3A_473, %dma_start3A_480] : memref<2x8192xf32, #tpu.memory_space<vmem>> -> memref<1x8192xf32, #tpu.memory_space<vmem>>
        %dma_start3A_482 = tpu.memref_squeeze %dma_start3A_481 : memref<1x8192xf32, #tpu.memory_space<vmem>> -> memref<8192xf32, #tpu.memory_space<vmem>>
        %dma_start3A_483 = arith.constant 0 : i32
        %dma_start3A_484 = tpu.memref_slice %arg2[%add3A_472, %dma_start3A_483] : memref<4608x8192xf32, #tpu.memory_space<hbm>> -> memref<1x8192xf32, #tpu.memory_space<hbm>>
        %dma_start3A_485 = tpu.memref_squeeze %dma_start3A_484 : memref<1x8192xf32, #tpu.memory_space<hbm>> -> memref<8192xf32, #tpu.memory_space<hbm>>
        tpu.enqueue_dma source(%dma_start3A_485 : memref<8192xf32, #tpu.memory_space<hbm>>) target(%dma_start3A_482 : memref<8192xf32, #tpu.memory_space<vmem>>) target_semaphore(%arg9 : memref<!tpu.dma_semaphore, #tpu.memory_space<semaphore_mem>>)
      } else {
      }
      %broadcast_in_dim3A_250 = vector.broadcast %add3A_50 : i32 to vector<16xi32>
      %broadcast_in_dim3A_251 = vector.broadcast %reduce_min3A_245 : i32 to vector<16xi32>
      %eq3A_252 = arith.constant 0 : i32
      %eq3A_253 = vector.broadcast %eq3A_252 : i32 to vector<16xi32>
      %eq3A_254 = arith.cmpi eq, %iota3A, %eq3A_253 : vector<16xi32>
      tpu.vector_store_idx %arg7[%broadcast_in_dim3A_250], %broadcast_in_dim3A_251 masked %eq3A_254 : memref<40xi32, #tpu.memory_space<vmem>>[vector<16xi32>], vector<16xi32>, vector<16xi1>
      %mul3A_255 = arith.constant 2 : i32
      %mul3A_256 = arith.muli %scan3A_45, %mul3A_255 : i32
      %add3A_257 = arith.constant 1 : i32
      %add3A_258 = arith.addi %mul3A_256, %add3A_257 : i32
      %dma_wait3A_259 = arith.constant 1 : i32
      %dma_wait3A_260 = arith.constant 0 : i32
      %dma_wait3A_261 = tpu.memref_slice %arg6[%dma_wait3A_259, %dma_wait3A_260] : memref<2x8192xf32, #tpu.memory_space<vmem>> -> memref<1x8192xf32, #tpu.memory_space<vmem>>
      %dma_wait3A_262 = tpu.memref_squeeze %dma_wait3A_261 : memref<1x8192xf32, #tpu.memory_space<vmem>> -> memref<8192xf32, #tpu.memory_space<vmem>>
      %dma_wait3A_263 = arith.constant 0 : i32
      %dma_wait3A_264 = tpu.memref_slice %arg2[%add3A_4, %dma_wait3A_263] : memref<4608x8192xf32, #tpu.memory_space<hbm>> -> memref<1x8192xf32, #tpu.memory_space<hbm>>
      %dma_wait3A_265 = tpu.memref_squeeze %dma_wait3A_264 : memref<1x8192xf32, #tpu.memory_space<hbm>> -> memref<8192xf32, #tpu.memory_space<hbm>>
      %dma_wait3A_266 = arith.constant 0 : i32
      %dma_wait3A_267 = tpu.memref_slice %arg6[%dma_wait3A_259, %dma_wait3A_266] : memref<2x8192xf32, #tpu.memory_space<vmem>> -> memref<1x8192xf32, #tpu.memory_space<vmem>>
      %dma_wait3A_268 = tpu.memref_squeeze %dma_wait3A_267 : memref<1x8192xf32, #tpu.memory_space<vmem>> -> memref<8192xf32, #tpu.memory_space<vmem>>
      %dma_wait3A_269 = arith.constant 0 : i32
      %dma_wait3A_270 = tpu.memref_slice %arg2[%add3A_4, %dma_wait3A_269] : memref<4608x8192xf32, #tpu.memory_space<hbm>> -> memref<1x8192xf32, #tpu.memory_space<hbm>>
      %dma_wait3A_271 = tpu.memref_squeeze %dma_wait3A_270 : memref<1x8192xf32, #tpu.memory_space<hbm>> -> memref<8192xf32, #tpu.memory_space<hbm>>
      tpu.wait_dma2 semaphore(%arg10 : memref<!tpu.dma_semaphore, #tpu.memory_space<semaphore_mem>>) src(%dma_wait3A_271 : memref<8192xf32, #tpu.memory_space<hbm>>) dst(%dma_wait3A_268 : memref<8192xf32, #tpu.memory_space<vmem>>)
      %broadcast_in_dim3A_272 = arith.constant 0x7F800000 : f32
      %broadcast_in_dim3A_273 = vector.broadcast %broadcast_in_dim3A_272 : f32 to vector<16xf32>
      %broadcast_in_dim3A_274 = arith.constant 0x7F800000 : f32
      %broadcast_in_dim3A_275 = vector.broadcast %broadcast_in_dim3A_274 : f32 to vector<16xf32>
      %broadcast_in_dim3A_276 = arith.constant 0x7F800000 : f32
      %broadcast_in_dim3A_277 = vector.broadcast %broadcast_in_dim3A_276 : f32 to vector<16xf32>
      %broadcast_in_dim3A_278 = arith.constant 0x7F800000 : f32
      %broadcast_in_dim3A_279 = vector.broadcast %broadcast_in_dim3A_278 : f32 to vector<16xf32>
      %broadcast_in_dim3A_280 = arith.constant 0x7F800000 : f32
      %broadcast_in_dim3A_281 = vector.broadcast %broadcast_in_dim3A_280 : f32 to vector<16xf32>
      %broadcast_in_dim3A_282 = arith.constant 0x7F800000 : f32
      %broadcast_in_dim3A_283 = vector.broadcast %broadcast_in_dim3A_282 : f32 to vector<16xf32>
      %broadcast_in_dim3A_284 = arith.constant 0x7F800000 : f32
      %broadcast_in_dim3A_285 = vector.broadcast %broadcast_in_dim3A_284 : f32 to vector<16xf32>
      %broadcast_in_dim3A_286 = arith.constant 0x7F800000 : f32
      %broadcast_in_dim3A_287 = vector.broadcast %broadcast_in_dim3A_286 : f32 to vector<16xf32>
      %broadcast_in_dim3A_288 = arith.constant 0 : i32
      %broadcast_in_dim3A_289 = vector.broadcast %broadcast_in_dim3A_288 : i32 to vector<16xi32>
      %broadcast_in_dim3A_290 = arith.constant 0 : i32
      %broadcast_in_dim3A_291 = vector.broadcast %broadcast_in_dim3A_290 : i32 to vector<16xi32>
      %broadcast_in_dim3A_292 = arith.constant 0 : i32
      %broadcast_in_dim3A_293 = vector.broadcast %broadcast_in_dim3A_292 : i32 to vector<16xi32>
      %broadcast_in_dim3A_294 = arith.constant 0 : i32
      %broadcast_in_dim3A_295 = vector.broadcast %broadcast_in_dim3A_294 : i32 to vector<16xi32>
      %broadcast_in_dim3A_296 = arith.constant 0 : i32
      %broadcast_in_dim3A_297 = vector.broadcast %broadcast_in_dim3A_296 : i32 to vector<16xi32>
      %broadcast_in_dim3A_298 = arith.constant 0 : i32
      %broadcast_in_dim3A_299 = vector.broadcast %broadcast_in_dim3A_298 : i32 to vector<16xi32>
      %broadcast_in_dim3A_300 = arith.constant 0 : i32
      %broadcast_in_dim3A_301 = vector.broadcast %broadcast_in_dim3A_300 : i32 to vector<16xi32>
      %broadcast_in_dim3A_302 = arith.constant 0 : i32
      %broadcast_in_dim3A_303 = vector.broadcast %broadcast_in_dim3A_302 : i32 to vector<16xi32>
      %scan3A_304 = arith.constant 0 : i32
      %scan3A_305 = arith.constant 64 : i32
      %scan3A_306 = arith.addi %scan3A_304, %scan3A_305 : i32
      %scan3A_307 = arith.constant 1 : i32
      %scan3A_308:16 = scf.for %scan3A_472 = %scan3A_304 to %scan3A_306 step %scan3A_307 iter_args(%scan3A_473 = %broadcast_in_dim3A_273, %scan3A_474 = %broadcast_in_dim3A_275, %scan3A_475 = %broadcast_in_dim3A_277, %scan3A_476 = %broadcast_in_dim3A_279, %scan3A_477 = %broadcast_in_dim3A_281, %scan3A_478 = %broadcast_in_dim3A_283, %scan3A_479 = %broadcast_in_dim3A_285, %scan3A_480 = %broadcast_in_dim3A_287, %scan3A_481 = %broadcast_in_dim3A_289, %scan3A_482 = %broadcast_in_dim3A_291, %scan3A_483 = %broadcast_in_dim3A_293, %scan3A_484 = %broadcast_in_dim3A_295, %scan3A_485 = %broadcast_in_dim3A_297, %scan3A_486 = %broadcast_in_dim3A_299, %scan3A_487 = %broadcast_in_dim3A_301, %scan3A_488 = %broadcast_in_dim3A_303) -> (vector<16xf32>, vector<16xf32>, vector<16xf32>, vector<16xf32>, vector<16xf32>, vector<16xf32>, vector<16xf32>, vector<16xf32>, vector<16xi32>, vector<16xi32>, vector<16xi32>, vector<16xi32>, vector<16xi32>, vector<16xi32>, vector<16xi32>, vector<16xi32>)  : i32 {
        %broadcast_in_dim3A_489 = vector.broadcast %scan3A_472 : i32 to vector<16xi32>
        %mul3A_490 = arith.constant 128 : i32
        %mul3A_491 = arith.muli %scan3A_472, %mul3A_490 : i32
        %add3A_492 = arith.constant 0 : i32
        %add3A_493 = arith.addi %mul3A_491, %add3A_492 : i32
        %get3A = arith.constant 1 : i32
        %get3A_494 = arith.index_cast %get3A : i32 to index
        %get3A_495 = arith.index_cast %add3A_493 : i32 to index
        %get3A_496 = tpu.vector_load %arg6[%get3A_494, %get3A_495] {strides = array<i32>} : memref<2x8192xf32, #tpu.memory_space<vmem>>, vector<16xf32>,
        %lt3A_497 = arith.cmpf olt, %get3A_496, %scan3A_473 : vector<16xf32>
        %select_n3A_498 = arith.select %lt3A_497, %get3A_496, %scan3A_473 : vector<16xi1>, vector<16xf32>
        %select_n3A_499 = arith.select %lt3A_497, %broadcast_in_dim3A_489, %scan3A_481 : vector<16xi1>, vector<16xi32>
        %add3A_500 = arith.constant 16 : i32
        %add3A_501 = arith.addi %mul3A_491, %add3A_500 : i32
        %get3A_502 = arith.constant 1 : i32
        %get3A_503 = arith.index_cast %get3A_502 : i32 to index
        %get3A_504 = arith.index_cast %add3A_501 : i32 to index
        %get3A_505 = tpu.vector_load %arg6[%get3A_503, %get3A_504] {strides = array<i32>} : memref<2x8192xf32, #tpu.memory_space<vmem>>, vector<16xf32>,
        %lt3A_506 = arith.cmpf olt, %get3A_505, %scan3A_474 : vector<16xf32>
        %select_n3A_507 = arith.select %lt3A_506, %get3A_505, %scan3A_474 : vector<16xi1>, vector<16xf32>
        %select_n3A_508 = arith.select %lt3A_506, %broadcast_in_dim3A_489, %scan3A_482 : vector<16xi1>, vector<16xi32>
        %add3A_509 = arith.constant 32 : i32
        %add3A_510 = arith.addi %mul3A_491, %add3A_509 : i32
        %get3A_511 = arith.constant 1 : i32
        %get3A_512 = arith.index_cast %get3A_511 : i32 to index
        %get3A_513 = arith.index_cast %add3A_510 : i32 to index
        %get3A_514 = tpu.vector_load %arg6[%get3A_512, %get3A_513] {strides = array<i32>} : memref<2x8192xf32, #tpu.memory_space<vmem>>, vector<16xf32>,
        %lt3A_515 = arith.cmpf olt, %get3A_514, %scan3A_475 : vector<16xf32>
        %select_n3A_516 = arith.select %lt3A_515, %get3A_514, %scan3A_475 : vector<16xi1>, vector<16xf32>
        %select_n3A_517 = arith.select %lt3A_515, %broadcast_in_dim3A_489, %scan3A_483 : vector<16xi1>, vector<16xi32>
        %add3A_518 = arith.constant 48 : i32
        %add3A_519 = arith.addi %mul3A_491, %add3A_518 : i32
        %get3A_520 = arith.constant 1 : i32
        %get3A_521 = arith.index_cast %get3A_520 : i32 to index
        %get3A_522 = arith.index_cast %add3A_519 : i32 to index
        %get3A_523 = tpu.vector_load %arg6[%get3A_521, %get3A_522] {strides = array<i32>} : memref<2x8192xf32, #tpu.memory_space<vmem>>, vector<16xf32>,
        %lt3A_524 = arith.cmpf olt, %get3A_523, %scan3A_476 : vector<16xf32>
        %select_n3A_525 = arith.select %lt3A_524, %get3A_523, %scan3A_476 : vector<16xi1>, vector<16xf32>
        %select_n3A_526 = arith.select %lt3A_524, %broadcast_in_dim3A_489, %scan3A_484 : vector<16xi1>, vector<16xi32>
        %add3A_527 = arith.constant 64 : i32
        %add3A_528 = arith.addi %mul3A_491, %add3A_527 : i32
        %get3A_529 = arith.constant 1 : i32
        %get3A_530 = arith.index_cast %get3A_529 : i32 to index
        %get3A_531 = arith.index_cast %add3A_528 : i32 to index
        %get3A_532 = tpu.vector_load %arg6[%get3A_530, %get3A_531] {strides = array<i32>} : memref<2x8192xf32, #tpu.memory_space<vmem>>, vector<16xf32>,
        %lt3A_533 = arith.cmpf olt, %get3A_532, %scan3A_477 : vector<16xf32>
        %select_n3A_534 = arith.select %lt3A_533, %get3A_532, %scan3A_477 : vector<16xi1>, vector<16xf32>
        %select_n3A_535 = arith.select %lt3A_533, %broadcast_in_dim3A_489, %scan3A_485 : vector<16xi1>, vector<16xi32>
        %add3A_536 = arith.constant 80 : i32
        %add3A_537 = arith.addi %mul3A_491, %add3A_536 : i32
        %get3A_538 = arith.constant 1 : i32
        %get3A_539 = arith.index_cast %get3A_538 : i32 to index
        %get3A_540 = arith.index_cast %add3A_537 : i32 to index
        %get3A_541 = tpu.vector_load %arg6[%get3A_539, %get3A_540] {strides = array<i32>} : memref<2x8192xf32, #tpu.memory_space<vmem>>, vector<16xf32>,
        %lt3A_542 = arith.cmpf olt, %get3A_541, %scan3A_478 : vector<16xf32>
        %select_n3A_543 = arith.select %lt3A_542, %get3A_541, %scan3A_478 : vector<16xi1>, vector<16xf32>
        %select_n3A_544 = arith.select %lt3A_542, %broadcast_in_dim3A_489, %scan3A_486 : vector<16xi1>, vector<16xi32>
        %add3A_545 = arith.constant 96 : i32
        %add3A_546 = arith.addi %mul3A_491, %add3A_545 : i32
        %get3A_547 = arith.constant 1 : i32
        %get3A_548 = arith.index_cast %get3A_547 : i32 to index
        %get3A_549 = arith.index_cast %add3A_546 : i32 to index
        %get3A_550 = tpu.vector_load %arg6[%get3A_548, %get3A_549] {strides = array<i32>} : memref<2x8192xf32, #tpu.memory_space<vmem>>, vector<16xf32>,
        %lt3A_551 = arith.cmpf olt, %get3A_550, %scan3A_479 : vector<16xf32>
        %select_n3A_552 = arith.select %lt3A_551, %get3A_550, %scan3A_479 : vector<16xi1>, vector<16xf32>
        %select_n3A_553 = arith.select %lt3A_551, %broadcast_in_dim3A_489, %scan3A_487 : vector<16xi1>, vector<16xi32>
        %add3A_554 = arith.constant 112 : i32
        %add3A_555 = arith.addi %mul3A_491, %add3A_554 : i32
        %get3A_556 = arith.constant 1 : i32
        %get3A_557 = arith.index_cast %get3A_556 : i32 to index
        %get3A_558 = arith.index_cast %add3A_555 : i32 to index
        %get3A_559 = tpu.vector_load %arg6[%get3A_557, %get3A_558] {strides = array<i32>} : memref<2x8192xf32, #tpu.memory_space<vmem>>, vector<16xf32>,
        %lt3A_560 = arith.cmpf olt, %get3A_559, %scan3A_480 : vector<16xf32>
        %select_n3A_561 = arith.select %lt3A_560, %get3A_559, %scan3A_480 : vector<16xi1>, vector<16xf32>
        %select_n3A_562 = arith.select %lt3A_560, %broadcast_in_dim3A_489, %scan3A_488 : vector<16xi1>, vector<16xi32>
        scf.yield %select_n3A_498, %select_n3A_507, %select_n3A_516, %select_n3A_525, %select_n3A_534, %select_n3A_543, %select_n3A_552, %select_n3A_561, %select_n3A_499, %select_n3A_508, %select_n3A_517, %select_n3A_526, %select_n3A_535, %select_n3A_544, %select_n3A_553, %select_n3A_562 : vector<16xf32>, vector<16xf32>, vector<16xf32>, vector<16xf32>, vector<16xf32>, vector<16xf32>, vector<16xf32>, vector<16xf32>, vector<16xi32>, vector<16xi32>, vector<16xi32>, vector<16xi32>, vector<16xi32>, vector<16xi32>, vector<16xi32>, vector<16xi32>
      }
      %scan3A_309 = arith.constant 64 : i32
      %min3A_310 = arith.minimumf %scan3A_308#0, %scan3A_308#1 : vector<16xf32>
      %min3A_311 = arith.minimumf %min3A_310, %scan3A_308#2 : vector<16xf32>
      %min3A_312 = arith.minimumf %min3A_311, %scan3A_308#3 : vector<16xf32>
      %min3A_313 = arith.minimumf %min3A_312, %scan3A_308#4 : vector<16xf32>
      %min3A_314 = arith.minimumf %min3A_313, %scan3A_308#5 : vector<16xf32>
      %min3A_315 = arith.minimumf %min3A_314, %scan3A_308#6 : vector<16xf32>
      %min3A_316 = arith.minimumf %min3A_315, %scan3A_308#7 : vector<16xf32>
      %reduce_min3A_317 = arith.constant true
      %reduce_min3A_318 = vector.broadcast %reduce_min3A_317 : i1 to vector<16xi1>
      %reduce_min3A_319 = tpu.scan <min>, %min3A_316 masked %reduce_min3A_318 : vector<16xf32>, vector<16xi1> -> vector<16xf32>
      %reduce_min3A_320 = vector.extract %reduce_min3A_319[15] : f32 from vector<16xf32>
      %broadcast_in_dim3A_321 = arith.constant 1073741824 : i32
      %broadcast_in_dim3A_322 = vector.broadcast %broadcast_in_dim3A_321 : i32 to vector<16xi32>
      %eq3A_323 = vector.broadcast %reduce_min3A_320 : f32 to vector<16xf32>
      %eq3A_324 = arith.cmpf oeq, %scan3A_308#0, %eq3A_323 : vector<16xf32>
      %mul3A_325 = arith.constant 8 : i32
      %mul3A_326 = vector.broadcast %mul3A_325 : i32 to vector<16xi32>
      %mul3A_327 = arith.muli %scan3A_308#8, %mul3A_326 : vector<16xi32>
      %add3A_328 = arith.constant 0 : i32
      %add3A_329 = vector.broadcast %add3A_328 : i32 to vector<16xi32>
      %add3A_330 = arith.addi %mul3A_327, %add3A_329 : vector<16xi32>
      %mul3A_331 = arith.constant 16 : i32
      %mul3A_332 = vector.broadcast %mul3A_331 : i32 to vector<16xi32>
      %mul3A_333 = arith.muli %add3A_330, %mul3A_332 : vector<16xi32>
      %add3A_334 = arith.addi %mul3A_333, %iota3A : vector<16xi32>
      %broadcast_in_dim3A_335 = arith.constant 1073741824 : i32
      %broadcast_in_dim3A_336 = vector.broadcast %broadcast_in_dim3A_335 : i32 to vector<16xi32>
      %select_n3A_337 = arith.select %eq3A_324, %add3A_334, %broadcast_in_dim3A_336 : vector<16xi1>, vector<16xi32>
      %min3A_338 = arith.minsi %broadcast_in_dim3A_322, %select_n3A_337 : vector<16xi32>
      %eq3A_339 = vector.broadcast %reduce_min3A_320 : f32 to vector<16xf32>
      %eq3A_340 = arith.cmpf oeq, %scan3A_308#1, %eq3A_339 : vector<16xf32>
      %mul3A_341 = arith.constant 8 : i32
      %mul3A_342 = vector.broadcast %mul3A_341 : i32 to vector<16xi32>
      %mul3A_343 = arith.muli %scan3A_308#9, %mul3A_342 : vector<16xi32>
      %add3A_344 = arith.constant 1 : i32
      %add3A_345 = vector.broadcast %add3A_344 : i32 to vector<16xi32>
      %add3A_346 = arith.addi %mul3A_343, %add3A_345 : vector<16xi32>
      %mul3A_347 = arith.constant 16 : i32
      %mul3A_348 = vector.broadcast %mul3A_347 : i32 to vector<16xi32>
      %mul3A_349 = arith.muli %add3A_346, %mul3A_348 : vector<16xi32>
      %add3A_350 = arith.addi %mul3A_349, %iota3A : vector<16xi32>
      %broadcast_in_dim3A_351 = arith.constant 1073741824 : i32
      %broadcast_in_dim3A_352 = vector.broadcast %broadcast_in_dim3A_351 : i32 to vector<16xi32>
      %select_n3A_353 = arith.select %eq3A_340, %add3A_350, %broadcast_in_dim3A_352 : vector<16xi1>, vector<16xi32>
      %min3A_354 = arith.minsi %min3A_338, %select_n3A_353 : vector<16xi32>
      %eq3A_355 = vector.broadcast %reduce_min3A_320 : f32 to vector<16xf32>
      %eq3A_356 = arith.cmpf oeq, %scan3A_308#2, %eq3A_355 : vector<16xf32>
      %mul3A_357 = arith.constant 8 : i32
      %mul3A_358 = vector.broadcast %mul3A_357 : i32 to vector<16xi32>
      %mul3A_359 = arith.muli %scan3A_308#10, %mul3A_358 : vector<16xi32>
      %add3A_360 = arith.constant 2 : i32
      %add3A_361 = vector.broadcast %add3A_360 : i32 to vector<16xi32>
      %add3A_362 = arith.addi %mul3A_359, %add3A_361 : vector<16xi32>
      %mul3A_363 = arith.constant 16 : i32
      %mul3A_364 = vector.broadcast %mul3A_363 : i32 to vector<16xi32>
      %mul3A_365 = arith.muli %add3A_362, %mul3A_364 : vector<16xi32>
      %add3A_366 = arith.addi %mul3A_365, %iota3A : vector<16xi32>
      %broadcast_in_dim3A_367 = arith.constant 1073741824 : i32
      %broadcast_in_dim3A_368 = vector.broadcast %broadcast_in_dim3A_367 : i32 to vector<16xi32>
      %select_n3A_369 = arith.select %eq3A_356, %add3A_366, %broadcast_in_dim3A_368 : vector<16xi1>, vector<16xi32>
      %min3A_370 = arith.minsi %min3A_354, %select_n3A_369 : vector<16xi32>
      %eq3A_371 = vector.broadcast %reduce_min3A_320 : f32 to vector<16xf32>
      %eq3A_372 = arith.cmpf oeq, %scan3A_308#3, %eq3A_371 : vector<16xf32>
      %mul3A_373 = arith.constant 8 : i32
      %mul3A_374 = vector.broadcast %mul3A_373 : i32 to vector<16xi32>
      %mul3A_375 = arith.muli %scan3A_308#11, %mul3A_374 : vector<16xi32>
      %add3A_376 = arith.constant 3 : i32
      %add3A_377 = vector.broadcast %add3A_376 : i32 to vector<16xi32>
      %add3A_378 = arith.addi %mul3A_375, %add3A_377 : vector<16xi32>
      %mul3A_379 = arith.constant 16 : i32
      %mul3A_380 = vector.broadcast %mul3A_379 : i32 to vector<16xi32>
      %mul3A_381 = arith.muli %add3A_378, %mul3A_380 : vector<16xi32>
      %add3A_382 = arith.addi %mul3A_381, %iota3A : vector<16xi32>
      %broadcast_in_dim3A_383 = arith.constant 1073741824 : i32
      %broadcast_in_dim3A_384 = vector.broadcast %broadcast_in_dim3A_383 : i32 to vector<16xi32>
      %select_n3A_385 = arith.select %eq3A_372, %add3A_382, %broadcast_in_dim3A_384 : vector<16xi1>, vector<16xi32>
      %min3A_386 = arith.minsi %min3A_370, %select_n3A_385 : vector<16xi32>
      %eq3A_387 = vector.broadcast %reduce_min3A_320 : f32 to vector<16xf32>
      %eq3A_388 = arith.cmpf oeq, %scan3A_308#4, %eq3A_387 : vector<16xf32>
      %mul3A_389 = arith.constant 8 : i32
      %mul3A_390 = vector.broadcast %mul3A_389 : i32 to vector<16xi32>
      %mul3A_391 = arith.muli %scan3A_308#12, %mul3A_390 : vector<16xi32>
      %add3A_392 = arith.constant 4 : i32
      %add3A_393 = vector.broadcast %add3A_392 : i32 to vector<16xi32>
      %add3A_394 = arith.addi %mul3A_391, %add3A_393 : vector<16xi32>
      %mul3A_395 = arith.constant 16 : i32
      %mul3A_396 = vector.broadcast %mul3A_395 : i32 to vector<16xi32>
      %mul3A_397 = arith.muli %add3A_394, %mul3A_396 : vector<16xi32>
      %add3A_398 = arith.addi %mul3A_397, %iota3A : vector<16xi32>
      %broadcast_in_dim3A_399 = arith.constant 1073741824 : i32
      %broadcast_in_dim3A_400 = vector.broadcast %broadcast_in_dim3A_399 : i32 to vector<16xi32>
      %select_n3A_401 = arith.select %eq3A_388, %add3A_398, %broadcast_in_dim3A_400 : vector<16xi1>, vector<16xi32>
      %min3A_402 = arith.minsi %min3A_386, %select_n3A_401 : vector<16xi32>
      %eq3A_403 = vector.broadcast %reduce_min3A_320 : f32 to vector<16xf32>
      %eq3A_404 = arith.cmpf oeq, %scan3A_308#5, %eq3A_403 : vector<16xf32>
      %mul3A_405 = arith.constant 8 : i32
      %mul3A_406 = vector.broadcast %mul3A_405 : i32 to vector<16xi32>
      %mul3A_407 = arith.muli %scan3A_308#13, %mul3A_406 : vector<16xi32>
      %add3A_408 = arith.constant 5 : i32
      %add3A_409 = vector.broadcast %add3A_408 : i32 to vector<16xi32>
      %add3A_410 = arith.addi %mul3A_407, %add3A_409 : vector<16xi32>
      %mul3A_411 = arith.constant 16 : i32
      %mul3A_412 = vector.broadcast %mul3A_411 : i32 to vector<16xi32>
      %mul3A_413 = arith.muli %add3A_410, %mul3A_412 : vector<16xi32>
      %add3A_414 = arith.addi %mul3A_413, %iota3A : vector<16xi32>
      %broadcast_in_dim3A_415 = arith.constant 1073741824 : i32
      %broadcast_in_dim3A_416 = vector.broadcast %broadcast_in_dim3A_415 : i32 to vector<16xi32>
      %select_n3A_417 = arith.select %eq3A_404, %add3A_414, %broadcast_in_dim3A_416 : vector<16xi1>, vector<16xi32>
      %min3A_418 = arith.minsi %min3A_402, %select_n3A_417 : vector<16xi32>
      %eq3A_419 = vector.broadcast %reduce_min3A_320 : f32 to vector<16xf32>
      %eq3A_420 = arith.cmpf oeq, %scan3A_308#6, %eq3A_419 : vector<16xf32>
      %mul3A_421 = arith.constant 8 : i32
      %mul3A_422 = vector.broadcast %mul3A_421 : i32 to vector<16xi32>
      %mul3A_423 = arith.muli %scan3A_308#14, %mul3A_422 : vector<16xi32>
      %add3A_424 = arith.constant 6 : i32
      %add3A_425 = vector.broadcast %add3A_424 : i32 to vector<16xi32>
      %add3A_426 = arith.addi %mul3A_423, %add3A_425 : vector<16xi32>
      %mul3A_427 = arith.constant 16 : i32
      %mul3A_428 = vector.broadcast %mul3A_427 : i32 to vector<16xi32>
      %mul3A_429 = arith.muli %add3A_426, %mul3A_428 : vector<16xi32>
      %add3A_430 = arith.addi %mul3A_429, %iota3A : vector<16xi32>
      %broadcast_in_dim3A_431 = arith.constant 1073741824 : i32
      %broadcast_in_dim3A_432 = vector.broadcast %broadcast_in_dim3A_431 : i32 to vector<16xi32>
      %select_n3A_433 = arith.select %eq3A_420, %add3A_430, %broadcast_in_dim3A_432 : vector<16xi1>, vector<16xi32>
      %min3A_434 = arith.minsi %min3A_418, %select_n3A_433 : vector<16xi32>
      %eq3A_435 = vector.broadcast %reduce_min3A_320 : f32 to vector<16xf32>
      %eq3A_436 = arith.cmpf oeq, %scan3A_308#7, %eq3A_435 : vector<16xf32>
      %mul3A_437 = arith.constant 8 : i32
      %mul3A_438 = vector.broadcast %mul3A_437 : i32 to vector<16xi32>
      %mul3A_439 = arith.muli %scan3A_308#15, %mul3A_438 : vector<16xi32>
      %add3A_440 = arith.constant 7 : i32
      %add3A_441 = vector.broadcast %add3A_440 : i32 to vector<16xi32>
      %add3A_442 = arith.addi %mul3A_439, %add3A_441 : vector<16xi32>
      %mul3A_443 = arith.constant 16 : i32
      %mul3A_444 = vector.broadcast %mul3A_443 : i32 to vector<16xi32>
      %mul3A_445 = arith.muli %add3A_442, %mul3A_444 : vector<16xi32>
      %add3A_446 = arith.addi %mul3A_445, %iota3A : vector<16xi32>
      %broadcast_in_dim3A_447 = arith.constant 1073741824 : i32
      %broadcast_in_dim3A_448 = vector.broadcast %broadcast_in_dim3A_447 : i32 to vector<16xi32>
      %select_n3A_449 = arith.select %eq3A_436, %add3A_446, %broadcast_in_dim3A_448 : vector<16xi1>, vector<16xi32>
      %min3A_450 = arith.minsi %min3A_434, %select_n3A_449 : vector<16xi32>
      %reduce_min3A_451 = arith.constant true
      %reduce_min3A_452 = vector.broadcast %reduce_min3A_451 : i1 to vector<16xi1>
      %reduce_min3A_453 = arith.constant -2147483648 : i32
      %reduce_min3A_454 = vector.broadcast %reduce_min3A_453 : i32 to vector<16xi32>
      %reduce_min3A_455 = arith.xori %min3A_450, %reduce_min3A_454 : vector<16xi32>
      %reduce_min3A_456 = tpu.scan <min>, %reduce_min3A_455 masked %reduce_min3A_452 : vector<16xi32>, vector<16xi1> -> vector<16xi32>
      %reduce_min3A_457 = arith.xori %reduce_min3A_456, %reduce_min3A_454 : vector<16xi32>
      %reduce_min3A_458 = vector.extract %reduce_min3A_457[15] : i32 from vector<16xi32>
      %add3A_459 = arith.constant 2 : i32
      %add3A_460 = arith.addi %add3A_258, %add3A_459 : i32
      %lt3A_461 = arith.constant 40 : i32
      %lt3A_462 = arith.cmpi slt, %add3A_460, %lt3A_461 : i32
      %convert_element_type3A_463 = arith.extui %lt3A_462 : i1 to i32
      %cond3A_464 = arith.constant 0 : i32
      %cond3A_465 = arith.cmpi ne, %convert_element_type3A_463, %cond3A_464 : i32
      scf.if %cond3A_465 {
        %add3A_472 = arith.addi %add3A_4, %add3A_460 : i32
        %dma_start3A_473 = arith.constant 1 : i32
        %dma_start3A_474 = arith.constant 0 : i32
        %dma_start3A_475 = tpu.memref_slice %arg6[%dma_start3A_473, %dma_start3A_474] : memref<2x8192xf32, #tpu.memory_space<vmem>> -> memref<1x8192xf32, #tpu.memory_space<vmem>>
        %dma_start3A_476 = tpu.memref_squeeze %dma_start3A_475 : memref<1x8192xf32, #tpu.memory_space<vmem>> -> memref<8192xf32, #tpu.memory_space<vmem>>
        %dma_start3A_477 = arith.constant 0 : i32
        %dma_start3A_478 = tpu.memref_slice %arg2[%add3A_472, %dma_start3A_477] : memref<4608x8192xf32, #tpu.memory_space<hbm>> -> memref<1x8192xf32, #tpu.memory_space<hbm>>
        %dma_start3A_479 = tpu.memref_squeeze %dma_start3A_478 : memref<1x8192xf32, #tpu.memory_space<hbm>> -> memref<8192xf32, #tpu.memory_space<hbm>>
        %dma_start3A_480 = arith.constant 0 : i32
        %dma_start3A_481 = tpu.memref_slice %arg6[%dma_start3A_473, %dma_start3A_480] : memref<2x8192xf32, #tpu.memory_space<vmem>> -> memref<1x8192xf32, #tpu.memory_space<vmem>>
        %dma_start3A_482 = tpu.memref_squeeze %dma_start3A_481 : memref<1x8192xf32, #tpu.memory_space<vmem>> -> memref<8192xf32, #tpu.memory_space<vmem>>
        %dma_start3A_483 = arith.constant 0 : i32
        %dma_start3A_484 = tpu.memref_slice %arg2[%add3A_472, %dma_start3A_483] : memref<4608x8192xf32, #tpu.memory_space<hbm>> -> memref<1x8192xf32, #tpu.memory_space<hbm>>
        %dma_start3A_485 = tpu.memref_squeeze %dma_start3A_484 : memref<1x8192xf32, #tpu.memory_space<hbm>> -> memref<8192xf32, #tpu.memory_space<hbm>>
        tpu.enqueue_dma source(%dma_start3A_485 : memref<8192xf32, #tpu.memory_space<hbm>>) target(%dma_start3A_482 : memref<8192xf32, #tpu.memory_space<vmem>>) target_semaphore(%arg10 : memref<!tpu.dma_semaphore, #tpu.memory_space<semaphore_mem>>)
      } else {
      }
      %broadcast_in_dim3A_466 = vector.broadcast %add3A_258 : i32 to vector<16xi32>
      %broadcast_in_dim3A_467 = vector.broadcast %reduce_min3A_458 : i32 to vector<16xi32>
      %eq3A_468 = arith.constant 0 : i32
      %eq3A_469 = vector.broadcast %eq3A_468 : i32 to vector<16xi32>
      %eq3A_470 = arith.cmpi eq, %iota3A, %eq3A_469 : vector<16xi32>
      tpu.vector_store_idx %arg7[%broadcast_in_dim3A_466], %broadcast_in_dim3A_467 masked %eq3A_470 : memref<40xi32, #tpu.memory_space<vmem>>[vector<16xi32>], vector<16xi32>, vector<16xi1>
      %scan3A_471 = arith.constant 0 : i32
      scf.yield %scan3A_471 : i32
    }
    %scan3A_39 = arith.constant 20 : i32
    %dma_start3A_40 = arith.constant 0 : i32
    %dma_start3A_41 = arith.constant 0 : i32
    %dma_start3A_42 = tpu.memref_slice %arg3[%dma_start3A_40, %dma_start3A_41] : memref<8192x256xf32, #tpu.memory_space<hbm>> -> memref<8192x256xf32, #tpu.memory_space<hbm>>
    tpu.enqueue_indirect_dma source(%dma_start3A_42 : memref<8192x256xf32, #tpu.memory_space<hbm>>) target(%arg8 : memref<40x256xf32, #tpu.memory_space<vmem>>) offsets(%arg7 : memref<40xi32, #tpu.memory_space<vmem>>) semaphore(%arg11 : memref<!tpu.dma_semaphore, #tpu.memory_space<semaphore_mem>>)
    %dma_wait3A = arith.constant 0 : i32
    %dma_wait3A_43 = arith.constant 0 : i32
    %dma_wait3A_44 = tpu.memref_slice %arg3[%dma_wait3A, %dma_wait3A_43] : memref<8192x256xf32, #tpu.memory_space<hbm>> -> memref<8192x256xf32, #tpu.memory_space<hbm>>
    tpu.wait_indirect_dma semaphore(%arg11 : memref<!tpu.dma_semaphore, #tpu.memory_space<semaphore_mem>>) src(%dma_wait3A_44 : memref<8192x256xf32, #tpu.memory_space<hbm>>) dst(%arg8 : memref<40x256xf32, #tpu.memory_space<vmem>>)
    "tpu.region"() ({
      %run_scoped3A = tpu.sem_alloc : memref<!tpu.dma_semaphore, #tpu.memory_space<semaphore_mem>>
      %dma_start3A_45 = arith.constant 0 : i32
      %dma_start3A_46 = tpu.memref_slice %arg4[%add3A_4, %dma_start3A_45] : memref<4608x256xf32, #tpu.memory_space<hbm>> -> memref<40x256xf32, #tpu.memory_space<hbm>>
      %dma_start3A_47 = arith.constant 0 : i32
      %dma_start3A_48 = tpu.memref_slice %arg4[%add3A_4, %dma_start3A_47] : memref<4608x256xf32, #tpu.memory_space<hbm>> -> memref<40x256xf32, #tpu.memory_space<hbm>>
      tpu.enqueue_dma source(%arg8 : memref<40x256xf32, #tpu.memory_space<vmem>>) target(%dma_start3A_48 : memref<40x256xf32, #tpu.memory_space<hbm>>) target_semaphore(%run_scoped3A : memref<!tpu.dma_semaphore, #tpu.memory_space<semaphore_mem>>)
      %dma_wait3A_49 = arith.constant 0 : i32
      %dma_wait3A_50 = tpu.memref_slice %arg4[%add3A_4, %dma_wait3A_49] : memref<4608x256xf32, #tpu.memory_space<hbm>> -> memref<40x256xf32, #tpu.memory_space<hbm>>
      %dma_wait3A_51 = arith.constant 0 : i32
      %dma_wait3A_52 = tpu.memref_slice %arg4[%add3A_4, %dma_wait3A_51] : memref<4608x256xf32, #tpu.memory_space<hbm>> -> memref<40x256xf32, #tpu.memory_space<hbm>>
      tpu.wait_dma2 semaphore(%run_scoped3A : memref<!tpu.dma_semaphore, #tpu.memory_space<semaphore_mem>>) src(%arg8 : memref<40x256xf32, #tpu.memory_space<vmem>>) dst(%dma_wait3A_52 : memref<40x256xf32, #tpu.memory_space<hbm>>)
      tpu.yield
    }) : () -> ()
    return
  }
}

#map = affine_map<(d0, d1) -> (0)>
#map1 = affine_map<(d0, d1) -> (0, 0)>
module attributes {stable_mosaic.version = 14 : i64} {
  func.func @new_body(%arg0: i32, %arg1: i32, %arg2: memref<3328xi32, #tpu.memory_space<hbm>>, %arg3: memref<8192x256xf32, #tpu.memory_space<hbm>>, %arg4: memref<4608x256xf32, #tpu.memory_space<hbm>>, %arg5: memref<4608x256xf32, #tpu.memory_space<hbm>>, %arg6: memref<104xi32, #tpu.memory_space<vmem>>, %arg7: memref<104x256xf32, #tpu.memory_space<vmem>>, %arg8: memref<!tpu.dma_semaphore, #tpu.memory_space<semaphore_mem>>) attributes {dimension_semantics = [#tpu.dimension_semantics<core_parallel>, #tpu.dimension_semantics<subcore_parallel>], iteration_bounds = array<i64: 2, 16>, scalar_prefetch = 0 : i64, scratch_operands = 3 : i64, tpu.core_type = #tpu.core_type<sc_vector_subcore>, window_params = [{transform_indices = #map}, {transform_indices = #map1}, {transform_indices = #map1}, {transform_indices = #map1}]} {
    %mul3A = arith.constant 2 : i32
    %mul3A_0 = arith.muli %arg1, %mul3A : i32
    %add3A = arith.addi %mul3A_0, %arg0 : i32
    %mul3A_1 = arith.constant 104 : i32
    %mul3A_2 = arith.muli %add3A, %mul3A_1 : i32
    "tpu.region"() ({
      %run_scoped3A = tpu.sem_alloc : memref<!tpu.dma_semaphore, #tpu.memory_space<semaphore_mem>>
      %dma_start3A_7 = tpu.memref_slice %arg2[%mul3A_2] : memref<3328xi32, #tpu.memory_space<hbm>> -> memref<104xi32, #tpu.memory_space<hbm>>
      %dma_start3A_8 = tpu.memref_slice %arg2[%mul3A_2] : memref<3328xi32, #tpu.memory_space<hbm>> -> memref<104xi32, #tpu.memory_space<hbm>>
      tpu.enqueue_dma source(%dma_start3A_8 : memref<104xi32, #tpu.memory_space<hbm>>) target(%arg6 : memref<104xi32, #tpu.memory_space<vmem>>) target_semaphore(%run_scoped3A : memref<!tpu.dma_semaphore, #tpu.memory_space<semaphore_mem>>)
      %dma_wait3A_9 = tpu.memref_slice %arg2[%mul3A_2] : memref<3328xi32, #tpu.memory_space<hbm>> -> memref<104xi32, #tpu.memory_space<hbm>>
      %dma_wait3A_10 = tpu.memref_slice %arg2[%mul3A_2] : memref<3328xi32, #tpu.memory_space<hbm>> -> memref<104xi32, #tpu.memory_space<hbm>>
      tpu.wait_dma2 semaphore(%run_scoped3A : memref<!tpu.dma_semaphore, #tpu.memory_space<semaphore_mem>>) src(%dma_wait3A_10 : memref<104xi32, #tpu.memory_space<hbm>>) dst(%arg6 : memref<104xi32, #tpu.memory_space<vmem>>)
      tpu.yield
    }) : () -> ()
    %dma_start3A = arith.constant 0 : i32
    %dma_start3A_3 = arith.constant 0 : i32
    %dma_start3A_4 = tpu.memref_slice %arg3[%dma_start3A, %dma_start3A_3] : memref<8192x256xf32, #tpu.memory_space<hbm>> -> memref<8192x256xf32, #tpu.memory_space<hbm>>
    tpu.enqueue_indirect_dma source(%dma_start3A_4 : memref<8192x256xf32, #tpu.memory_space<hbm>>) target(%arg7 : memref<104x256xf32, #tpu.memory_space<vmem>>) offsets(%arg6 : memref<104xi32, #tpu.memory_space<vmem>>) semaphore(%arg8 : memref<!tpu.dma_semaphore, #tpu.memory_space<semaphore_mem>>)
    %dma_wait3A = arith.constant 0 : i32
    %dma_wait3A_5 = arith.constant 0 : i32
    %dma_wait3A_6 = tpu.memref_slice %arg3[%dma_wait3A, %dma_wait3A_5] : memref<8192x256xf32, #tpu.memory_space<hbm>> -> memref<8192x256xf32, #tpu.memory_space<hbm>>
    tpu.wait_indirect_dma semaphore(%arg8 : memref<!tpu.dma_semaphore, #tpu.memory_space<semaphore_mem>>) src(%dma_wait3A_6 : memref<8192x256xf32, #tpu.memory_space<hbm>>) dst(%arg7 : memref<104x256xf32, #tpu.memory_space<vmem>>)
    "tpu.region"() ({
      %run_scoped3A = tpu.sem_alloc : memref<!tpu.dma_semaphore, #tpu.memory_space<semaphore_mem>>
      %dma_start3A_7 = arith.constant 0 : i32
      %dma_start3A_8 = tpu.memref_slice %arg4[%mul3A_2, %dma_start3A_7] : memref<4608x256xf32, #tpu.memory_space<hbm>> -> memref<104x256xf32, #tpu.memory_space<hbm>>
      %dma_start3A_9 = arith.constant 0 : i32
      %dma_start3A_10 = tpu.memref_slice %arg4[%mul3A_2, %dma_start3A_9] : memref<4608x256xf32, #tpu.memory_space<hbm>> -> memref<104x256xf32, #tpu.memory_space<hbm>>
      tpu.enqueue_dma source(%arg7 : memref<104x256xf32, #tpu.memory_space<vmem>>) target(%dma_start3A_10 : memref<104x256xf32, #tpu.memory_space<hbm>>) target_semaphore(%run_scoped3A : memref<!tpu.dma_semaphore, #tpu.memory_space<semaphore_mem>>)
      %dma_wait3A_11 = arith.constant 0 : i32
      %dma_wait3A_12 = tpu.memref_slice %arg4[%mul3A_2, %dma_wait3A_11] : memref<4608x256xf32, #tpu.memory_space<hbm>> -> memref<104x256xf32, #tpu.memory_space<hbm>>
      %dma_wait3A_13 = arith.constant 0 : i32
      %dma_wait3A_14 = tpu.memref_slice %arg4[%mul3A_2, %dma_wait3A_13] : memref<4608x256xf32, #tpu.memory_space<hbm>> -> memref<104x256xf32, #tpu.memory_space<hbm>>
      tpu.wait_dma2 semaphore(%run_scoped3A : memref<!tpu.dma_semaphore, #tpu.memory_space<semaphore_mem>>) src(%arg7 : memref<104x256xf32, #tpu.memory_space<vmem>>) dst(%dma_wait3A_14 : memref<104x256xf32, #tpu.memory_space<hbm>>)
      tpu.yield
    }) : () -> ()
    return
  }
}

module attributes {stable_mosaic.version = 14 : i64} {
  func.func @_tc_argmin_body(%arg0: i32, %arg1: memref<256x8192xf32, #tpu.memory_space<vmem>>, %arg2: memref<1x1x256xi32, #tpu.memory_space<vmem>>) attributes {dimension_semantics = [#tpu.dimension_semantics<arbitrary>], iteration_bounds = array<i64: 13>, scalar_prefetch = 0 : i64, scratch_operands = 0 : i64, tpu.core_type = #tpu.core_type<tc>, window_params = [{transform_indices = @transform_0, window_bounds = array<i64: 256, 8192>}, {transform_indices = @transform_1, window_bounds = array<i64: 1, 1, 256>}]} {
    %get3A = arith.constant 0 : index
    %get3A_0 = arith.constant 0 : index
    %get3A_1 = vector.load %arg1[%get3A, %get3A_0] : memref<256x8192xf32, #tpu.memory_space<vmem>>, vector<256x8192xf32>
    %reduce_min3A = arith.constant dense<0x7F800000> : vector<256xf32>
    %reduce_min3A_2 = vector.multi_reduction <minimumf>, %get3A_1, %reduce_min3A [1] : vector<256x8192xf32> to vector<256xf32>
    %broadcast_in_dim3A = vector.shape_cast %reduce_min3A_2 : vector<256xf32> to vector<256x1xf32>
    %iota3A = tpu.iota {dimensions = array<i32: 1>} : vector<256x8192xi32>
    %eq3A = vector.broadcast %broadcast_in_dim3A : vector<256x1xf32> to vector<256x8192xf32>
    %eq3A_3 = arith.cmpf oeq, %get3A_1, %eq3A : vector<256x8192xf32>
    %jit3A = arith.constant 1073741824 : i32
    %broadcast_in_dim3A_4 = vector.broadcast %jit3A : i32 to vector<256x8192xi32>
    %select_n3A = arith.select %eq3A_3, %iota3A, %broadcast_in_dim3A_4 : vector<256x8192xi1>, vector<256x8192xi32>
    %reduce_min3A_5 = arith.constant dense<2147483647> : vector<256xi32>
    %reduce_min3A_6 = vector.multi_reduction <minsi>, %select_n3A, %reduce_min3A_5 [1] : vector<256x8192xi32> to vector<256xi32>
    %reshape3A = vector.shape_cast %reduce_min3A_6 : vector<256xi32> to vector<1x1x256xi32>
    %swap3A = arith.constant 0 : index
    %swap3A_7 = arith.constant 0 : index
    %swap3A_8 = arith.constant 0 : index
    %swap3A_9 = vector.load %arg2[%swap3A, %swap3A_7, %swap3A_8] : memref<1x1x256xi32, #tpu.memory_space<vmem>>, vector<1x1x256xi32>
    tpu.vector_store %arg2[%swap3A, %swap3A_7, %swap3A_8], %reshape3A {strides = array<i32>} : memref<1x1x256xi32, #tpu.memory_space<vmem>>, vector<1x1x256xi32>,
    return
  }
  func.func @transform_0(%arg0: i32) -> (i32, i32) {
    %c0_i32 = arith.constant 0 : i32
    %c0_i32_0 = arith.constant 0 : i32
    return %arg0, %c0_i32 : i32, i32
  }
  func.func @transform_1(%arg0: i32) -> (i32, i32, i32) {
    %c0_i32 = arith.constant 0 : i32
    %c0_i32_0 = arith.constant 0 : i32
    %c0_i32_1 = arith.constant 0 : i32
    return %arg0, %c0_i32, %c0_i32_0 : i32, i32, i32
  }
}

</mosaic_0001>

<sc_bundles>
// kernel: _snap.5.cloned.1.call-start
scs
__scs_entry_jumppad:
0x0: {  	(pc) =	sbr.rel $0x88, $3  }
0x1: {  	(tag) =	ssettag $0x0;
	lr =	simm.s32 $0x1  }
0x2: {  	[smem:$0x3F9F] =	sst lr;
	_ =	strace $0xD0000000  }
0x3: {  	_ = 	snop  }
0x4: {  	_ = 	snop  }
0x5: {  	_ = 	snop  }
0x6: {  	_ = 	snop  }
0x7: {  	_ = 	snop  }
__scs_overlays_trampoline_lowered:
0x8: {  	[smem:$0x3FAE] =	sst s0  }
0x9: {  	[smem:$0x3FAF] =	sst s1  }
0xa: {  	[smem:$0x3FB0] =	sst s2  }
0xb: {  	[smem:$0x3FB1] =	sst s3  }
0xc: {  	[smem:$0x3FB2] =	sst s4  }
0xd: {  	[smem:$0x3FB3] =	sst s5  }
0xe: {  	[smem:$0x3FB4] =	sst s6  }
0xf: {  	[smem:$0x3FB5] =	sst s7  }
0x10: {  	[smem:$0x3FB6] =	sst s8  }
0x11: {  	[smem:$0x3FB7] =	sst s9;
	s0 =	simm.s32 @!p0 $0x0  }
0x12: {  	s1 =	sld [smem:$0x3F9D];
	s0 =	simm.s32 @p0 $0x1  }
0x13: {  	[smem:$0x3FB8] =	sst s0;
	s0 =	simm.s32 @!p1 $0x0  }
0x14: {  	s2 =	sld [smem:$0x3F9C];
	s0 =	simm.s32 @p1 $0x1  }
0x15: {  	[smem:$0x3FB9] =	sst s0;
	s0 =	simm.s32 @!p2 $0x0  }
0x16: {  	s3 =	sld [smem:$0x3FDB];
	s0 =	simm.s32 @p2 $0x1  }
0x17: {  	s4 =	simm.s32 $0x1BF5;
	[smem:$0x3FBB] =	sst s0  }
0x18: {  	s0 =	sld [smem:$0x3F9E];
	_ =	swait.ge [sflag:s4], $0x0  }
0x19: {  	s7 =	sld [smem:$0x3F9F]  }
0x1a: {  	s8 =	sadd.s32 $0xFFFFE003, lr  }
0x1b: {  	s9 =	sadd.s32 $0xFFFFFEF7, lr;
	s5 =	simm.s32 $0xFFFFFFFF;
	p2 =	slt.u32 s8, $0xFFFFF086  }
0x1c: {  	p1 =	slt.u32 s9, $0xF7A;
	s5 =	simm.s32 @!p2 $0x0  }
0x1d: {  	s5 =	simm.s32 @p1 $0x1;
	p0 =	seq.s32 s7, s2  }
0x1e: {  	s7 =	smul.u32 @!p0 $0xF7A, s2;
	p2 =	seq.s32 @!p0 s5, $0x0  }
0x1f: {  	s9 =	smul.u32 $0xF7A, s1;
	s8 =	simm.s32 @!p0 $0x1BF5;
	p2 =	por !p2, p0  }
0x20: {  	[sflag:s8] =	ssyncset.s32 @!p0 $0xFFFFF086;
	s6 =	sadd.s32 @!p0 s3, s7;
	s7 =	simm.s32 @!p0 $0x108  }
0x21: {  	s3 =	sadd.s32 s3, s9;
	s6 =	sadd.s32 @!p0 $0x88, s6;
	s7 =	simm.s32 @p2 $0x1082  }
0x22: {  	[simem:s7], [sflag:s8] =	dma.local @!p0 [hbm:s6], $0xF7A  }
0x23: {  	s9 =	sor.u32 $0xD0000000, s2;
	s6 =	simm.s32 $0x108;
	_ =	swait.ge @!p0 [sflag:s8], $0x0  }
0x24: {  	s3 =	sadd.s32 $0x88, s3;
	s6 =	simm.s32 @!p1 $0x1082;
	[sflag:s4] =	ssyncset.s32 $0xFFFFF086  }
0x25: {  	[simem:s6], [sflag:s4] =	dma.local [hbm:s3], $0xF7A  }
0x26: {  	[smem:$0x3F9F] =	sst s1;
	(tag) =	ssettag s2;
	_ =	strace s9  }
0x27: {  	s1 =	sld [smem:$0x3FAF]  }
0x28: {  	s2 =	sld [smem:$0x3FB0]  }
0x29: {  	s4 =	sld [smem:$0x3FB2]  }
0x2a: {  	p0 =	seq.s32 s5, $0x0;
	s5 =	sld [smem:$0x3FB3]  }
0x2b: {  	s6 =	sld [smem:$0x3FB4]  }
0x2c: {  	s7 =	sld [smem:$0x3FB5]  }
0x2d: {  	s3 =	simm.s32 $0x108;
	s8 =	sld [smem:$0x3FB6]  }
0x2e: {  	s3 =	simm.s32 @!p0 $0x1082;
	s9 =	sld [smem:$0x3FB7]  }
0x2f: {  	lr =	sadd.s32 s0, s3;
	s0 =	sld [smem:$0x3FAE]  }
0x30: {  	s3 =	sld [smem:$0x3FB1]  }
0x31: {  	[smem:$0x3FBA] =	sst s10  }
0x32: {  	s10 =	sld [smem:$0x3FB8];
	_ =	sdelay $0x3  }
0x33: {  	p0 =	seq.s32 s10, $0x1;
	s10 =	sld [smem:$0x3FBA];
	_ =	sdelay $0x3  }
0x34: {  	[smem:$0x3FBA] =	sst s10  }
0x35: {  	s10 =	sld [smem:$0x3FB9];
	_ =	sdelay $0x3  }
0x36: {  	p1 =	seq.s32 s10, $0x1;
	s10 =	sld [smem:$0x3FBA];
	_ =	sdelay $0x3  }
0x37: {  	[smem:$0x3FBA] =	sst s10  }
0x38: {  	s10 =	sld [smem:$0x3FBB]  }
0x39: {  	_ = 	snop;
	(pc) =	sbr.ind lr, $3  }
0x3a: {  	_ = 	snop  }
0x3b: {  	_ = 	snop  }
0x3c: {  	p2 =	seq.s32 s10, $0x1;
	s10 =	sld [smem:$0x3FBA]  }
0x3d: {  	_ =	shalt  }
0x3e: {  	_ =	shalt  }
0x3f: {  	_ =	shalt  }
0x40: {  	_ =	shalt  }
0x41: {  	_ =	shalt  }
0x42: {  	_ =	shalt  }
0x43: {  	_ =	shalt  }
0x44: {  	_ =	shalt  }
0x45: {  	_ =	shalt  }
0x46: {  	_ =	shalt  }
0x47: {  	_ =	shalt  }
0x48: {  	_ =	shalt  }
0x49: {  	_ =	shalt  }
0x4a: {  	_ =	shalt  }
0x4b: {  	_ =	shalt  }
0x4c: {  	_ =	shalt  }
0x4d: {  	_ =	shalt  }
0x4e: {  	_ =	shalt  }
0x4f: {  	_ =	shalt  }
0x50: {  	_ =	shalt  }
0x51: {  	_ =	shalt  }
0x52: {  	_ =	shalt  }
0x53: {  	_ =	shalt  }
0x54: {  	_ =	shalt  }
0x55: {  	_ =	shalt  }
0x56: {  	_ =	shalt  }
0x57: {  	_ =	shalt  }
0x58: {  	_ =	shalt  }
0x59: {  	_ =	shalt  }
0x5a: {  	_ =	shalt  }
0x5b: {  	_ =	shalt  }
0x5c: {  	_ =	shalt  }
0x5d: {  	_ =	shalt  }
0x5e: {  	_ =	shalt  }
0x5f: {  	_ =	shalt  }
0x60: {  	_ =	shalt  }
0x61: {  	_ =	shalt  }
0x62: {  	_ =	shalt  }
0x63: {  	_ =	shalt  }
0x64: {  	_ =	shalt  }
0x65: {  	_ =	shalt  }
0x66: {  	_ =	shalt  }
0x67: {  	_ =	shalt  }
0x68: {  	_ =	shalt  }
0x69: {  	_ =	shalt  }
0x6a: {  	_ =	shalt  }
0x6b: {  	_ =	shalt  }
0x6c: {  	_ =	shalt  }
0x6d: {  	_ =	shalt  }
0x6e: {  	_ =	shalt  }
0x6f: {  	_ =	shalt  }
0x70: {  	_ =	shalt  }
0x71: {  	_ =	shalt  }
0x72: {  	_ =	shalt  }
0x73: {  	_ =	shalt  }
0x74: {  	_ =	shalt  }
0x75: {  	_ =	shalt  }
0x76: {  	_ =	shalt  }
0x77: {  	_ =	shalt  }
0x78: {  	_ =	shalt  }
0x79: {  	_ =	shalt  }
0x7a: {  	_ =	shalt  }
0x7b: {  	_ =	shalt  }
0x7c: {  	_ =	shalt  }
0x7d: {  	_ =	shalt  }
0x7e: {  	_ =	shalt  }
0x7f: {  	_ =	shalt  }
0x80: {  	_ =	shalt  }
0x81: {  	_ =	shalt  }
0x82: {  	_ =	shalt  }
0x83: {  	_ =	shalt  }
0x84: {  	_ =	shalt  }
0x85: {  	_ =	shalt  }
0x86: {  	_ =	shalt  }
0x87: {  	_ =	shalt  }
.Lfunc_end0:
.L_simem_size_0:
called_computation_lowered:
.L_overlay_start_0:
0x88: {  	s2 =	sld [smem:$0x3FD9]  }
0x89: {  	s3 =	sld [smem:$0x3FFE];
	_ =	sdelay $0x1  }
0x8a: {  	s1 =	srdreg.scid  }
0x8b: {  	s0 =	sand.u32 $0x1, s1  }
0x8c: {  	s18 =	sshll.u32 s0, $0xA;
	s2 =	sadd.s32 s3, s2  }
0x8d: {  	s2 =	sadd.s32 s2, s18  }
0x8e: {  	[smem:$0x3FC6] =	sst s2  }
0x8f: {  	_ = 	snop  }
0x90: {  	s2 =	sld [smem:$0x3FC9]  }
0x91: {  	s19 =	sld [smem:$0x3FC8]  }
0x92: {  	s4 =	sld [smem:$0x3FD0];
	(tm) =	ssettm $0x1  }
0x93: {  	s5 =	sld [smem:$0x3FFB];
	_ =	sdelay $0x3  }
0x94: {  	_ =	strace s5  }
0x95: {  	s5 =	sld [smem:$0x3FFC];
	_ =	sdelay $0x3  }
0x96: {  	_ =	strace s5  }
0x97: {  	s5 =	sld [smem:$0x3FFD];
	_ =	sdelay $0x3  }
0x98: {  	_ =	strace s5  }
0x99: {  	_ =	strace $0x8FFFFFFF  }
0x9a: {  	s20 =	sld [smem:$0x3FDB];
	_ =	sdelay $0x1  }
0x9b: {  	s6 =	simm.s32 $_scs_section_size  }
0x9c: {  	s7 =	simm.s32 $_size__tile_overlayer_lowered;
	s8 =	simm.s32 $_tile_overlayer_lowered  }
0x9d: {  	s23 =	simm.s32 $0x1BFF;
	s22 =	sshll.u32 s8, $0x1;
	s5 =	sadd.s32 s6, s20  }
0x9e: {  	s9 =	simm.s32 $0x0;
	s21 =	sshll.u32 s7, $0x1;
	s7 =	sadd.s32 s22, s5  }
0x9f: {  	[timem:s9], [sflag:s23] =	dma.local [hbm:s7], s21  }
0xa0: {  	_ =	swait.ge [sflag:s23], s21  }
0xa1: {  	s6 =	ssub.s32 $0x0, s21;
	[sflag:s23] =	ssyncset.done $0x0  }
0xa2: {  	[sflag:s23] =	ssyncadd.s32 s6;
	_ =	sdelay $0x1  }
0xa3: {  	s24 =	simm.s32 $0x1B8B  }
0xa4: {  	_ =	swait.ge [sflag:s24], $0x1  }
0xa5: {  	[sflag:s24] =	ssyncset.done $0x0  }
0xa6: {  	s25 =	simm.s32 $0x1B8E;
	[sflag:s24] =	ssyncadd.s32 $0xFFFFFFFF  }
0xa7: {  	s26 =	simm.s32 $execute0_lowered;
	[smem:$0x3FD2] =	sst s25  }
0xa8: {  	s6 =	sshll.u32 s26, $0x1;
	_ =	strace $0x80000046;
	[dreg:$0x1] =	wrdreg $0xFFFFFFFF  }
0xa9: {  	s28 =	simm.s32 $_size_execute0_lowered;
	s5 =	sadd.s32 s5, s6;
	[dreg:$0x0] =	wrdreg $0x0  }
0xaa: {  	s6 =	sshll.u32 s28, $0x1;
	[dreg:$0x2] =	wrdreg s5  }
0xab: {  	[dreg:$0x3] =	wrdreg s6  }
0xac: {  	[dreg:$0x4] =	wrdreg $0xC0  }
0xad: {  	_ =	task [dreg:s9], $0x5FFFF  }
0xae: {  	[dreg:$0x1] =	wrdreg $0xFFFFFFFF  }
0xaf: {  	[dreg:$0x0] =	wrdreg $0x60  }
0xb0: {  	[dreg:$0x2] =	wrdreg s2  }
0xb1: {  	[dreg:$0x3] =	wrdreg s19  }
0xb2: {  	[dreg:$0x4] =	wrdreg s4  }
0xb3: {  	[dreg:$0x5] =	wrdreg $0x9  }
0xb4: {  	_ =	task.clear_ibuf [dreg:s9], $0x6FFFF;
	_ =	strace $0x90000046  }
0xb5: {  	s29 =	simm.s32 $0x9;
	_ =	strace $0x80000048  }
0xb6: {  	_ =	swait.ge [sflag:s29], $0x1  }
0xb7: {  	[sflag:s29] =	ssyncadd.s32 $0xFFFFFFFF  }
0xb8: {  	_ =	strace $0x90000048  }
0xb9: {  	_ =	sfence  }
0xba: {  	s30 =	sld [smem:$0x0];
	_ =	sdelay $0x2  }
0xbb: {  	s31 =	sshll.u32 s1, $0xD;
	s1 =	sshrl.u32 s1, $0x2  }
0xbc: {  	s3 =	sand.u32 $0x4000, s31;
	s1 =	sadd.s32 s1, s30  }
0xbd: {  	s0 =	sor.u32 s3, s0;
	s1 =	sshll.u32 s1, $0x11  }
0xbe: {  	s0 =	sor.u32 s1, s0  }
0xbf: {  	s0 =	sadd.s32 $0x8F2B, s0  }
0xc0: {  	[sflag:s0] =	ssyncadd.remote.s32 $0x1  }
0xc1: {  	_ =	sfence.sel $0xFFFF  }
0xc2: {  	[dreg:$0x0] =	wrdreg $0xFFFFFFFF;
	(pc) =	sbr.abs _section_cstart, $3  }
0xc3: {  	[dreg:$0x1] =	wrdreg $0xFFFFFFFF  }
0xc4: {  	_ =	task.clear_ibuf [dreg:s9], $0x2FFFF;
	_ =	strace $0x9FFFFFFF  }
0xc5: {  	(tm) =	ssettm $0x7FFFFFFF  }
tec
execute0_lowered:
.L_overlay_start_1:
0x0: {  	(tag) =	ssettag $0x1  }
0x1: {  	s1 =	rddreg [dreg:$0x0]  }
0x2: {  	s2 =	srdreg.scid;
	s3 =	rddreg [dreg:$0x1]  }
0x3: {  	s0 =	stileid.u32;
	s8 =	rddreg [dreg:$0x2]  }
0x4: {  	s4 =	simm.s32 $0x0;
	s12 =	simm.s32 $0x2;
	s13 =	simm.s32 $0x4080  }
0x5: {  	s14 =	simm.s32 $0x4880;
	s15 =	simm.s32 $0x5080;
	s16 =	simm.s32 $0x5880  }
0x6: {  	s17 =	simm.s32 $0x6080;
	s5 =	sand.u32 $0x1, s2;
	s31 =	sshll.u32 s0, $0x1  }
0x7: {  	s18 =	simm.s32 $0x3;
	s19 =	simm.s32 $0x4;
	s6 =	sor.u32 s5, s31  }
0x8: {  	s20 =	simm.s32 $0x0;
	s2 =	rddreg [dreg:$0x3];
	s7 =	smul.u32 $0x28, s6  }
0x9: {  	[smem:$0x7FF] =	sst s4;
	s5 =	ssub.s32 $0x2, s5;
	s6 =	smul.u32 $0x50000, s6  }
.Ltmp0:
0xa: {  	_ =	strace $0x80000047;
	s9 =	sshrl.u32 s5, $0x1;
	(pc) =	sbr.rel .LBB2_1-.Ltmp0, $4  }
0xb: {  	v0 =	vlaneseq.u32;
	s9 =	ssub.s32 s5, s9;
	s5 =	sadd.s32 $0xD00, s7;
	s6 =	sshrl.u32 s6, $0x3  }
0xc: {  	v1 =	vor.u32 $0x10, v0;
	s9 =	smax.u32 s9, $0x1;
	s7 =	sshll.u32 s5, $0xA;
	s10 =	sadd.s32 s1, s6  }
0xd: {  	v2 =	vor.u32 $0x20, v0;
	v3 =	vor.u32 $0x30, v0;
	v4 =	vor.u32 $0x40, v0;
	s11 =	sshll.u32 s5, $0x5;
	s6 =	sadd.s32 s1, s7;
	s7 =	sadd.s32 $0x340010, s10  }
0xe: {  	v5 =	vor.u32 $0x50, v0;
	v6 =	vor.u32 $0x60, v0;
	v7 =	vor.u32 $0x70, v0;
	s8 =	sadd.s32 s8, s11;
	s10 =	simm.s32 $0x1;
	s11 =	simm.s32 $0x4000  }
.LBB2_19:
0xf: {  	v8 =	vld [tilespmem:$0x4000];
	_ =	sdelay $0x4  }
0x10: {  	v9 =	vshll.u32 v8, $0x1  }
0x11: {  	v8 =	vand.u32 $0x7, v8;
	v9 =	vand.u32 $0xFFFFFFF0, v9  }
0x12: {  	v61 =	vand.u32 $0x7, v0;
	v10 =	vshrl.u32 v0, $0x3;
	v8 =	vor.u32 v8, v9  }
0x13: {  	v10 =	vmul.u32 $0x8, v10;
	v11 =	vperm.xlane v8, v61  }
0x14: {  	v12 =	vor.u32 $0x8, v0  }
0x15: {  	v8 =	vperm.xlane v8, v12;
	v11 =	vadd.s32 v10, v11;
	_ =	sdelay $0x1  }
0x16: {  	v8 =	vadd.s32 v10, v8;
	_ =	sdelay $0x1  }
0x17: {  	vm0 =	vmmov $0xffff  }
0x18: {  	[tilespmem:s13], [sflag:$0x3] =	stream.indirect_vreg.gather [hbm4b:s3+s4], $0x80, v11, vm0, $0xb8;
	[tilespmem:$0x6880] =	vst v63  }
0x19: {  	_ = 	snop  }
0x1a: {  	[tilespmem:s14], [sflag:$0x3] =	stream.indirect_vreg.gather [hbm4b:s3+s4], $0x80, v8, vm0, $0xb8;
	[tilespmem:$0x6880] =	vst v63  }
0x1b: {  	v8 =	vld [tilespmem:$0x4010];
	_ =	sdelay $0x4  }
0x1c: {  	v62 =	vshll.u32 v8, $0x1  }
0x1d: {  	v8 =	vand.u32 $0x7, v8;
	v11 =	vand.u32 $0xFFFFFFF0, v62  }
0x1e: {  	v8 =	vor.u32 v8, v11  }
0x1f: {  	v11 =	vperm.xlane v8, v61;
	_ =	sdelay $0x1  }
0x20: {  	v8 =	vperm.xlane v8, v12;
	v11 =	vadd.s32 v10, v11;
	_ =	sdelay $0x1  }
0x21: {  	v8 =	vadd.s32 v10, v8;
	_ =	sdelay $0x2  }
0x22: {  	[tilespmem:s15], [sflag:$0x3] =	stream.indirect_vreg.gather [hbm4b:s3+s4], $0x80, v11, vm0, $0xb8;
	[tilespmem:$0x6880] =	vst v63  }
0x23: {  	_ = 	snop  }
0x24: {  	[tilespmem:s16], [sflag:$0x3] =	stream.indirect_vreg.gather [hbm4b:s3+s4], $0x80, v8, vm0, $0xb8;
	[tilespmem:$0x6880] =	vst v63  }
0x25: {  	v8 =	vld.msk [tilespmem:$0x4020], $0xff;
	_ =	sdelay $0x4  }
0x26: {  	v63 =	vshll.u32 v8, $0x1  }
0x27: {  	v8 =	vand.u32 $0x7, v8;
	v11 =	vand.u32 $0xFFFFFFF0, v63  }
0x28: {  	v8 =	vor.u32 v8, v11  }
0x29: {  	v8 =	vperm.xlane v8, v61;
	_ =	sdelay $0x1  }
0x2a: {  	v8 =	vadd.s32 v10, v8;
	_ =	sdelay $0x4  }
0x2b: {  	[tilespmem:s17], [sflag:$0x3] =	stream.indirect_vreg.gather [hbm4b:s3+s4], $0x80, v8, vm0, $0xb8;
	[tilespmem:$0x6880] =	vst v63  }
0x2c: {  	s20 =	sadd.s32 $0x1, s20;
	_ =	swait.ge [sflag:s18], $0x2800  }
0x2d: {  	p0 =	sne.s32 s20, s9;
	[sflag:s18] =	ssyncset.done $0x0  }
.Ltmp1:
0x2e: {  	[sflag:s18] =	ssyncadd.s32 $0xFFFFD800;
	(pc) =	sbr.rel @!p0 .LBB2_20-.Ltmp1, $4  }
0x2f: {  	[hbm4b:s8+s4] =	stream.linear.scatter [tilespmem:s13], [sflag:$0x4], $0x2800, $0x38;
	[tilespmem:$0x6880] =	vst v63  }
0x30: {  	_ =	swait.ge [sflag:s19], $0x2800  }
0x31: {  	[sflag:s19] =	ssyncset.done $0x0  }
0x32: {  	[sflag:s19] =	ssyncadd.s32 $0xFFFFD800  }
.LBB2_1:
0x33: {  	s21 =	simm.s32 $0x80  }
0x34: {  	s24 =	sadd.s32 $0x0, s6;
	s22 =	simm.s32 $0x100;
	s23 =	simm.s32 $0x0  }
.LBB2_2:
0x35: {  	[tilespmem:s23], [sflag:$0x1] =	stream.linear.gather [hbm4b:s24+s4], $0x80, $0x38;
	[tilespmem:$0x6880] =	vst v63  }
0x36: {  	s24 =	smov.u32 s21;
	s23 =	smov.u32 s22;
	p0 =	sne.s32 s21, $0x1F80  }
.Ltmp2:
0x37: {  	s21 =	sadd.s32 $0x80, s21;
	(pc) =	sbr.rel @p0 .LBB2_2-.Ltmp2, $2  }
0x38: {  	_ =	sdelay $0x2  }
0x39: {  	s22 =	sadd.s32 $0x100, s22;
	s24 =	sadd.s32 s24, s6  }
0x3a: {  	[tilespmem:s23], [sflag:$0x1] =	stream.linear.gather [hbm4b:s24+s4], $0x80, $0x38;
	[tilespmem:$0x6880] =	vst v63  }
0x3b: {  	s21 =	simm.s32 $0x0;
	s22 =	simm.s32 $0x80  }
0x3c: {  	s23 =	simm.s32 $0x80;
	s25 =	sadd.s32 $0x0, s7;
	s24 =	simm.s32 $0x180  }
.LBB2_4:
0x3d: {  	[tilespmem:s22], [sflag:$0x2] =	stream.linear.gather [hbm4b:s25+s21], $0x80, $0x38;
	[tilespmem:$0x6880] =	vst v63  }
0x3e: {  	s25 =	smov.u32 s23;
	s22 =	smov.u32 s24;
	p0 =	sne.s32 s23, $0x1F80  }
.Ltmp3:
0x3f: {  	s23 =	sadd.s32 $0x80, s23;
	(pc) =	sbr.rel @p0 .LBB2_4-.Ltmp3, $2  }
0x40: {  	_ =	sdelay $0x2  }
0x41: {  	s24 =	sadd.s32 $0x100, s24;
	s25 =	sadd.s32 s25, s7  }
.Ltmp4:
0x42: {  	(pc) =	sbr.rel .LBB2_6-.Ltmp4, $2  }
0x43: {  	_ =	sdelay $0x2  }
0x44: {  	[tilespmem:s22], [sflag:$0x2] =	stream.linear.gather [hbm4b:s25+s21], $0x80, $0x38;
	[tilespmem:$0x6880] =	vst v63  }
.LBB2_18:
0x45: {  	s22 =	sor.u32 $0x1, s22;
	s21 =	sadd.s32 $0x1, s21  }
0x46: {  	v8 =	vmov s22;
	p0 =	sne.s32 s21, $0x14  }
.Ltmp5:
0x47: {  	_ = 	snop;
	(pc) =	sbr.rel @!p0 .LBB2_19-.Ltmp5, $4  }
0x48: {  	_ = 	snop  }
0x49: {  	s31 =	sxor.u32 $0x80000000, s23  }
0x4a: {  	v9 =	vmov s31  }
0x4b: {  	[tilespmem:v8+s11+$0x0] =	vst.idx.msk $0x1, v9  }
.LBB2_6:
0x4c: {  	_ =	swait.ge [sflag:s10], $0x2000  }
0x4d: {  	[sflag:s10] =	ssyncset.done $0x0  }
0x4e: {  	s22 =	simm.s32 $0x40;
	[sflag:s10] =	ssyncadd.s32 $0xFFFFE000  }
0x4f: {  	v9 =	vld [tilespmem:s22+$0xFFFFFFC0]  }
0x50: {  	v10 =	vld [tilespmem:s22+$0xFFFFFFD0]  }
0x51: {  	v11 =	vld [tilespmem:s22+$0xFFFFFFE0]  }
0x52: {  	v12 =	vld [tilespmem:s22+$0xFFFFFFF0]  }
0x53: {  	v13 =	vld [tilespmem:s22+$0x0]  }
0x54: {  	v14 =	vld [tilespmem:s22+$0x10]  }
0x55: {  	v15 =	vld [tilespmem:s22+$0x20];
	_ =	sdelay $0x1  }
0x56: {  	v18 =	vimm.f32 $+Inf;
	s24 =	simm.s32 $0x140;
	v28 =	vld [tilespmem:s22+$0x30]  }
0x57: {  	v8 =	vimm.s32 $0x0;
	v30 =	vld [tilespmem:s24+$0xFFFFFFC0];
	vm0 =	vlt.f32 v9, v18;
	vm1 =	vlt.f32 v10, v18  }
0x58: {  	v16 =	vld [tilespmem:s24+$0xFFFFFFD0];
	vm2 =	vlt.f32 v11, v18;
	vm3 =	vlt.f32 v12, v18;
	vm4 =	vlt.f32 v13, v18  }
0x59: {  	s22 =	simm.s32 $0x0;
	v31 =	vld [tilespmem:s24+$0xFFFFFFE0];
	vm5 =	vlt.f32 v14, v18;
	vm6 =	vlt.f32 v15, v18;
	v17 =	vsel vm0, v9, v18  }
0x5a: {  	v21 =	vld [tilespmem:s24+$0xFFFFFFF0];
	v9 =	vsel vm0, s22, v8;
	v19 =	vsel vm1, v10, v18;
	v24 =	vsel vm2, v11, v18  }
0x5b: {  	v25 =	vld [tilespmem:s24+$0x0];
	v23 =	vsel vm3, v12, v18;
	v20 =	vsel vm4, v13, v18;
	vm0 =	vlt.f32 v28, v18  }
0x5c: {  	v26 =	vld [tilespmem:s24+$0x10];
	v27 =	vsel vm5, v14, v18;
	v22 =	vsel vm6, v15, v18;
	v10 =	vsel vm1, s22, v8  }
0x5d: {  	v29 =	vld [tilespmem:s24+$0x30];
	v11 =	vsel vm2, s22, v8;
	v12 =	vsel vm3, s22, v8;
	v15 =	vsel vm4, s22, v8  }
0x5e: {  	s23 =	simm.s32 $0x1;
	s25 =	simm.s32 $0x2;
	v13 =	vsel vm5, s22, v8;
	v14 =	vsel vm6, s22, v8;
	v18 =	vsel vm0, v28, v18;
	v28 =	vld [tilespmem:s24+$0x20];
	s24 =	simm.s32 $0x240  }
.LBB2_7:
0x5f: {  	v32 =	vld [tilespmem:s24+$0xFFFFFFC0];
	p0 =	sne.s32 s25, $0x3F;
	vm1 =	vlt.f32 v30, v17;
	vm2 =	vlt.f32 v16, v19;
	v8 =	vsel vm0, s22, v8;
	s22 =	smov.u32 s23;
	s23 =	smov.u32 s25  }
0x60: {  	v17 =	vsel vm1, v30, v17;
	v9 =	vsel vm1, s22, v9;
	v19 =	vsel vm2, v16, v19;
	v16 =	vld [tilespmem:s24+$0xFFFFFFD0]  }
0x61: {  	vm3 =	vlt.f32 v21, v23;
	vm1 =	vlt.f32 v31, v24;
	vm4 =	vlt.f32 v25, v20;
	v33 =	vld [tilespmem:s24+$0xFFFFFFE0]  }
.Ltmp6:
0x62: {  	v23 =	vsel vm3, v21, v23;
	v24 =	vsel vm1, v31, v24;
	v20 =	vsel vm4, v25, v20;
	v21 =	vld [tilespmem:s24+$0xFFFFFFF0];
	(pc) =	sbr.rel @p0 .LBB2_7-.Ltmp6, $4  }
0x63: {  	vm5 =	vlt.f32 v26, v27;
	vm6 =	vlt.f32 v28, v22;
	v25 =	vld [tilespmem:s24+$0x0];
	vm0 =	vlt.f32 v29, v18  }
0x64: {  	v27 =	vsel vm5, v26, v27;
	v22 =	vsel vm6, v28, v22;
	v26 =	vld [tilespmem:s24+$0x10];
	v18 =	vsel vm0, v29, v18;
	v30 =	vmovc v32  }
0x65: {  	v10 =	vsel vm2, s22, v10;
	v12 =	vsel vm3, s22, v12;
	v11 =	vsel vm1, s22, v11;
	v28 =	vld [tilespmem:s24+$0x20]  }
0x66: {  	s25 =	sadd.s32 $0x1, s25;
	v15 =	vsel vm4, s22, v15;
	v13 =	vsel vm5, s22, v13;
	v14 =	vsel vm6, s22, v14;
	v29 =	vld [tilespmem:s24+$0x30];
	s24 =	sadd.s32 $0x100, s24;
	v31 =	vmovc v33  }
0x67: {  	vm1 =	vlt.f32 v30, v17;
	vm2 =	vlt.f32 v16, v19  }
0x68: {  	vm3 =	vlt.f32 v31, v24;
	v17 =	vsel vm1, v30, v17;
	v16 =	vsel vm2, v16, v19  }
0x69: {  	vm4 =	vlt.f32 v21, v23;
	v51 =	vsel vm3, v31, v24;
	v52 =	vmin.f32 v17, v16  }
0x6a: {  	v21 =	vsel vm4, v21, v23;
	vm5 =	vlt.f32 v25, v20;
	v53 =	vmin.f32 v52, v51  }
0x6b: {  	v20 =	vsel vm5, v25, v20;
	vm6 =	vlt.f32 v26, v27;
	v23 =	vmin.f32 v53, v21  }
0x6c: {  	v54 =	vsel vm6, v26, v27;
	vm7 =	vlt.f32 v28, v22;
	v23 =	vmin.f32 v23, v20  }
0x6d: {  	v22 =	vsel vm7, v28, v22;
	vm8 =	vlt.f32 v29, v18;
	v23 =	vmin.f32 v23, v54  }
0x6e: {  	v18 =	vsel vm8, v29, v18;
	v23 =	vmin.f32 v23, v22  }
0x6f: {  	v23 =	vmin.f32 v23, v18  }
0x70: {  	(xrf0) =	vmin.scan.msk.f32 $0xffff, v23;
	_ =	sdelay $0x4  }
0x71: {  	v8 =	vsel vm0, s22, v8;
	v9 =	vsel vm1, s23, v9;
	v10 =	vsel vm2, s23, v10  }
0x72: {  	v11 =	vsel vm3, s23, v11;
	v12 =	vsel vm4, s23, v12;
	v9 =	vshll.u32 v9, $0x7;
	v23, _, _ =	vpop (xrf0)  }
0x73: {  	v15 =	vsel vm5, s23, v15;
	v9 =	vor.u32 v0, v9;
	v23 =	vbroadcast v23, $0xF  }
0x74: {  	v10 =	vshll.u32 v10, $0x7;
	v13 =	vsel vm6, s23, v13;
	vm6 =	vlt.s32 v9, $0x40000000  }
0x75: {  	v14 =	vsel vm7, s23, v14;
	v9 =	vnsel vm6, $0x40000000, v9;
	vm7 =	veq.f32 v17, v23  }
0x76: {  	v11 =	vshll.u32 v11, $0x7;
	v10 =	vor.u32 v1, v10;
	v9 =	vnsel vm7, $0x40000000, v9  }
0x77: {  	v56 =	vshll.u32 v12, $0x7;
	v11 =	vor.u32 v2, v11;
	vm1 =	vlt.s32 v9, v10  }
0x78: {  	vm9 =	veq.f32 v16, v23;
	vm10 =	veq.f32 v51, v23;
	v10 =	vsel vm1, v9, v10  }
0x79: {  	v58 =	vshll.u32 v15, $0x7;
	v55 =	vnsel vm10, $0x40000000, v11;
	v9 =	vsel vm9, v10, v9  }
0x7a: {  	vm11 =	veq.f32 v21, v23;
	v11 =	vor.u32 v3, v56;
	vm0 =	vlt.s32 v9, v55  }
0x7b: {  	v60 =	vshll.u32 v13, $0x7;
	v57 =	vnsel vm11, $0x40000000, v11;
	v9 =	vsel vm0, v9, v55  }
0x7c: {  	vm12 =	veq.f32 v20, v23;
	v11 =	vor.u32 v4, v58;
	vm0 =	vlt.s32 v9, v57  }
0x7d: {  	v8 =	vsel vm8, s23, v8;
	v59 =	vnsel vm12, $0x40000000, v11;
	v9 =	vsel vm0, v9, v57  }
0x7e: {  	vm13 =	veq.f32 v54, v23;
	v11 =	vor.u32 v5, v60;
	vm0 =	vlt.s32 v9, v59  }
0x7f: {  	v62 =	vshll.u32 v14, $0x7;
	v61 =	vnsel vm13, $0x40000000, v11;
	v9 =	vsel vm0, v9, v59  }
0x80: {  	vm14 =	veq.f32 v22, v23;
	v11 =	vor.u32 v6, v62;
	vm0 =	vlt.s32 v9, v61  }
0x81: {  	v8 =	vshll.u32 v8, $0x7;
	v63 =	vnsel vm14, $0x40000000, v11;
	v9 =	vsel vm0, v9, v61  }
0x82: {  	v8 =	vor.u32 v7, v8;
	vm15 =	veq.f32 v18, v23;
	vm0 =	vlt.s32 v9, v63  }
0x83: {  	v8 =	vnsel vm15, $0x40000000, v8;
	v9 =	vsel vm0, v9, v63  }
0x84: {  	vm0 =	vlt.s32 v9, v8  }
0x85: {  	v8 =	vsel vm0, v9, v8  }
0x86: {  	v8 =	vxor.u32 $0x80000000, v8  }
0x87: {  	(xrf0) =	vmin.scan.msk.u32 $0xffff, v8;
	_ =	sdelay $0x5  }
0x88: {  	v8, _, _ =	vpop (xrf0)  }
0x89: {  	(v2sf) =	vpush v8, $0xF;
	_ =	sdelay $0x9  }
0x8a: {  	p0 =	seq.s32 s21, $0x13  }
.Ltmp7:
0x8b: {  	_ = 	snop;
	(pc) =	sbr.rel @p0 .LBB2_12-.Ltmp7, $2  }
0x8c: {  	_ =	sdelay $0x2  }
0x8d: {  	s22 =	sshll.u32 s21, $0x1;
	s23 =	spop (v2sf)  }
0x8e: {  	s24 =	sadd.s32 $0x2, s22  }
0x8f: {  	s25 =	sadd.s32 s5, s24;
	s24 =	sshll.u32 s24, $0x4  }
0x90: {  	s25 =	sshll.u32 s25, $0xA;
	s24 =	sand.u32 $0x60, s24  }
0x91: {  	s25 =	sand.u32 $0xFFFE000, s25;
	s24 =	sadd.s32 s1, s24  }
0x92: {  	s26 =	simm.s32 $0x80;
	s24 =	sadd.s32 s25, s24  }
0x93: {  	s28 =	simm.s32 $0x100;
	s25 =	simm.s32 $0x0;
	s29 =	sadd.s32 $0x0, s24  }
.LBB2_10:
0x94: {  	[tilespmem:s25], [sflag:$0x1] =	stream.linear.gather [hbm4b:s29+s4], $0x80, $0x38;
	[tilespmem:$0x6880] =	vst v63  }
0x95: {  	s29 =	smov.u32 s26;
	s25 =	smov.u32 s28;
	p1 =	sne.s32 s26, $0x1F80  }
.Ltmp8:
0x96: {  	s26 =	sadd.s32 $0x80, s26;
	(pc) =	sbr.rel @p1 .LBB2_10-.Ltmp8, $2  }
0x97: {  	_ =	sdelay $0x2  }
0x98: {  	s28 =	sadd.s32 $0x100, s28;
	s29 =	sadd.s32 s29, s24  }
0x99: {  	[tilespmem:s25], [sflag:$0x1] =	stream.linear.gather [hbm4b:s29+s4], $0x80, $0x38;
	[tilespmem:$0x6880] =	vst v63  }
.LBB2_12:
0x9a: {  	v8 =	vmov s22  }
0x9b: {  	v8 =	vand.u32 $0xFFFFFFFE, v8  }
0x9c: {  	v8 =	vbroadcast v8, $0x0;
	_ =	sdelay $0x3  }
0x9d: {  	s23 =	sxor.u32 $0x80000000, s23  }
0x9e: {  	v9 =	vmov s23  }
0x9f: {  	[tilespmem:v8+s11+$0x0] =	vst.idx.msk $0x1, v9  }
0xa0: {  	_ =	swait.ge [sflag:s12], $0x2000  }
0xa1: {  	[sflag:s12] =	ssyncset.done $0x0  }
0xa2: {  	s31 =	simm.s32 $0xF0;
	[sflag:s12] =	ssyncadd.s32 $0xFFFFE000  }
0xa3: {  	v9 =	vld [tilespmem:s31+$0xFFFFFF90]  }
0xa4: {  	v10 =	vld [tilespmem:s31+$0xFFFFFFA0]  }
0xa5: {  	v11 =	vld [tilespmem:s31+$0xFFFFFFB0]  }
0xa6: {  	v12 =	vld [tilespmem:s31+$0xFFFFFFC0]  }
0xa7: {  	v13 =	vld [tilespmem:s31+$0xFFFFFFD0]  }
0xa8: {  	v14 =	vld [tilespmem:s31+$0xFFFFFFE0]  }
0xa9: {  	v15 =	vld [tilespmem:s31+$0xFFFFFFF0];
	_ =	sdelay $0x1  }
0xaa: {  	v18 =	vimm.f32 $+Inf;
	s25 =	simm.s32 $0x1F0;
	v28 =	vld [tilespmem:s31+$0x0]  }
0xab: {  	v8 =	vimm.s32 $0x0;
	v30 =	vld [tilespmem:s25+$0xFFFFFF90];
	vm0 =	vlt.f32 v9, v18;
	vm1 =	vlt.f32 v10, v18  }
0xac: {  	v16 =	vld [tilespmem:s25+$0xFFFFFFA0];
	vm2 =	vlt.f32 v11, v18;
	vm3 =	vlt.f32 v12, v18;
	vm4 =	vlt.f32 v13, v18  }
0xad: {  	s23 =	simm.s32 $0x0;
	v31 =	vld [tilespmem:s25+$0xFFFFFFB0];
	vm5 =	vlt.f32 v14, v18;
	vm6 =	vlt.f32 v15, v18;
	v17 =	vsel vm0, v9, v18  }
0xae: {  	v21 =	vld [tilespmem:s25+$0xFFFFFFC0];
	v9 =	vsel vm0, s23, v8;
	v19 =	vsel vm1, v10, v18;
	v24 =	vsel vm2, v11, v18  }
0xaf: {  	v25 =	vld [tilespmem:s25+$0xFFFFFFD0];
	v23 =	vsel vm3, v12, v18;
	v20 =	vsel vm4, v13, v18;
	vm0 =	vlt.f32 v28, v18  }
0xb0: {  	v26 =	vld [tilespmem:s25+$0xFFFFFFE0];
	v27 =	vsel vm5, v14, v18;
	v22 =	vsel vm6, v15, v18;
	v10 =	vsel vm1, s23, v8  }
0xb1: {  	v29 =	vld [tilespmem:s25+$0x0];
	v11 =	vsel vm2, s23, v8;
	v12 =	vsel vm3, s23, v8;
	v15 =	vsel vm4, s23, v8  }
0xb2: {  	s24 =	simm.s32 $0x1;
	s26 =	simm.s32 $0x2;
	v13 =	vsel vm5, s23, v8;
	v14 =	vsel vm6, s23, v8;
	v18 =	vsel vm0, v28, v18;
	v28 =	vld [tilespmem:s25+$0xFFFFFFF0];
	s25 =	simm.s32 $0x2F0  }
.LBB2_13:
0xb3: {  	v32 =	vld [tilespmem:s25+$0xFFFFFF90];
	p1 =	sne.s32 s26, $0x3F;
	vm1 =	vlt.f32 v30, v17;
	vm2 =	vlt.f32 v16, v19;
	v8 =	vsel vm0, s23, v8;
	s23 =	smov.u32 s24;
	s24 =	smov.u32 s26  }
0xb4: {  	v17 =	vsel vm1, v30, v17;
	v9 =	vsel vm1, s23, v9;
	v19 =	vsel vm2, v16, v19;
	v16 =	vld [tilespmem:s25+$0xFFFFFFA0]  }
0xb5: {  	vm3 =	vlt.f32 v21, v23;
	vm1 =	vlt.f32 v31, v24;
	vm4 =	vlt.f32 v25, v20;
	v33 =	vld [tilespmem:s25+$0xFFFFFFB0]  }
.Ltmp9:
0xb6: {  	v23 =	vsel vm3, v21, v23;
	v24 =	vsel vm1, v31, v24;
	v20 =	vsel vm4, v25, v20;
	v21 =	vld [tilespmem:s25+$0xFFFFFFC0];
	(pc) =	sbr.rel @p1 .LBB2_13-.Ltmp9, $4  }
0xb7: {  	vm5 =	vlt.f32 v26, v27;
	vm6 =	vlt.f32 v28, v22;
	v25 =	vld [tilespmem:s25+$0xFFFFFFD0];
	vm0 =	vlt.f32 v29, v18  }
0xb8: {  	v27 =	vsel vm5, v26, v27;
	v22 =	vsel vm6, v28, v22;
	v26 =	vld [tilespmem:s25+$0xFFFFFFE0];
	v18 =	vsel vm0, v29, v18;
	v30 =	vmovc v32  }
0xb9: {  	v10 =	vsel vm2, s23, v10;
	v12 =	vsel vm3, s23, v12;
	v11 =	vsel vm1, s23, v11;
	v28 =	vld [tilespmem:s25+$0xFFFFFFF0]  }
0xba: {  	s26 =	sadd.s32 $0x1, s26;
	v15 =	vsel vm4, s23, v15;
	v13 =	vsel vm5, s23, v13;
	v14 =	vsel vm6, s23, v14;
	v29 =	vld [tilespmem:s25+$0x0];
	s25 =	sadd.s32 $0x100, s25;
	v31 =	vmovc v33  }
0xbb: {  	vm1 =	vlt.f32 v30, v17;
	vm2 =	vlt.f32 v16, v19  }
0xbc: {  	vm3 =	vlt.f32 v31, v24;
	v17 =	vsel vm1, v30, v17;
	v16 =	vsel vm2, v16, v19  }
0xbd: {  	vm4 =	vlt.f32 v21, v23;
	v51 =	vsel vm3, v31, v24;
	v52 =	vmin.f32 v17, v16  }
0xbe: {  	v21 =	vsel vm4, v21, v23;
	vm5 =	vlt.f32 v25, v20;
	v53 =	vmin.f32 v52, v51  }
0xbf: {  	v20 =	vsel vm5, v25, v20;
	vm6 =	vlt.f32 v26, v27;
	v23 =	vmin.f32 v53, v21  }
0xc0: {  	v54 =	vsel vm6, v26, v27;
	vm7 =	vlt.f32 v28, v22;
	v23 =	vmin.f32 v23, v20  }
0xc1: {  	v22 =	vsel vm7, v28, v22;
	vm8 =	vlt.f32 v29, v18;
	v23 =	vmin.f32 v23, v54  }
0xc2: {  	v18 =	vsel vm8, v29, v18;
	v23 =	vmin.f32 v23, v22  }
0xc3: {  	v23 =	vmin.f32 v23, v18  }
0xc4: {  	(xrf0) =	vmin.scan.msk.f32 $0xffff, v23;
	_ =	sdelay $0x4  }
0xc5: {  	v8 =	vsel vm0, s23, v8;
	v9 =	vsel vm1, s24, v9;
	v10 =	vsel vm2, s24, v10  }
0xc6: {  	v11 =	vsel vm3, s24, v11;
	v12 =	vsel vm4, s24, v12;
	v9 =	vshll.u32 v9, $0x7;
	v23, _, _ =	vpop (xrf0)  }
0xc7: {  	v15 =	vsel vm5, s24, v15;
	v9 =	vor.u32 v0, v9;
	v23 =	vbroadcast v23, $0xF  }
0xc8: {  	v10 =	vshll.u32 v10, $0x7;
	v13 =	vsel vm6, s24, v13;
	vm6 =	vlt.s32 v9, $0x40000000  }
0xc9: {  	v14 =	vsel vm7, s24, v14;
	v9 =	vnsel vm6, $0x40000000, v9;
	vm7 =	veq.f32 v17, v23  }
0xca: {  	v11 =	vshll.u32 v11, $0x7;
	v10 =	vor.u32 v1, v10;
	v9 =	vnsel vm7, $0x40000000, v9  }
0xcb: {  	v56 =	vshll.u32 v12, $0x7;
	v11 =	vor.u32 v2, v11;
	vm1 =	vlt.s32 v9, v10  }
0xcc: {  	vm9 =	veq.f32 v16, v23;
	vm10 =	veq.f32 v51, v23;
	v10 =	vsel vm1, v9, v10  }
0xcd: {  	v58 =	vshll.u32 v15, $0x7;
	v55 =	vnsel vm10, $0x40000000, v11;
	v9 =	vsel vm9, v10, v9  }
0xce: {  	vm11 =	veq.f32 v21, v23;
	v11 =	vor.u32 v3, v56;
	vm0 =	vlt.s32 v9, v55  }
0xcf: {  	v60 =	vshll.u32 v13, $0x7;
	v57 =	vnsel vm11, $0x40000000, v11;
	v9 =	vsel vm0, v9, v55  }
0xd0: {  	vm12 =	veq.f32 v20, v23;
	v11 =	vor.u32 v4, v58;
	vm0 =	vlt.s32 v9, v57  }
0xd1: {  	v8 =	vsel vm8, s24, v8;
	v59 =	vnsel vm12, $0x40000000, v11;
	v9 =	vsel vm0, v9, v57  }
0xd2: {  	vm13 =	veq.f32 v54, v23;
	v11 =	vor.u32 v5, v60;
	vm0 =	vlt.s32 v9, v59  }
0xd3: {  	v62 =	vshll.u32 v14, $0x7;
	v61 =	vnsel vm13, $0x40000000, v11;
	v9 =	vsel vm0, v9, v59  }
0xd4: {  	vm14 =	veq.f32 v22, v23;
	v11 =	vor.u32 v6, v62;
	vm0 =	vlt.s32 v9, v61  }
0xd5: {  	v8 =	vshll.u32 v8, $0x7;
	v63 =	vnsel vm14, $0x40000000, v11;
	v9 =	vsel vm0, v9, v61  }
0xd6: {  	v8 =	vor.u32 v7, v8;
	vm15 =	veq.f32 v18, v23;
	vm0 =	vlt.s32 v9, v63  }
0xd7: {  	v8 =	vnsel vm15, $0x40000000, v8;
	v9 =	vsel vm0, v9, v63  }
0xd8: {  	vm0 =	vlt.s32 v9, v8  }
0xd9: {  	v8 =	vsel vm0, v9, v8  }
0xda: {  	v8 =	vxor.u32 $0x80000000, v8  }
0xdb: {  	(xrf0) =	vmin.scan.msk.u32 $0xffff, v8;
	_ =	sdelay $0x5  }
0xdc: {  	v8, _, _ =	vpop (xrf0)  }
0xdd: {  	(v2sf) =	vpush v8, $0xF;
	_ =	sdelay $0xa  }
.Ltmp10:
0xde: {  	_ = 	snop;
	(pc) =	sbr.rel @p0 .LBB2_18-.Ltmp10, $2  }
0xdf: {  	_ =	sdelay $0x2  }
0xe0: {  	s23 =	spop (v2sf)  }
0xe1: {  	s24 =	sadd.s32 $0x3, s22  }
0xe2: {  	s25 =	sadd.s32 s5, s24;
	s24 =	sshll.u32 s24, $0x4  }
0xe3: {  	s25 =	sshll.u32 s25, $0xA;
	s24 =	sand.u32 $0x70, s24  }
0xe4: {  	s25 =	sand.u32 $0xFFFE000, s25;
	s24 =	sadd.s32 s1, s24  }
0xe5: {  	s26 =	simm.s32 $0x80;
	s24 =	sadd.s32 s25, s24  }
0xe6: {  	s28 =	simm.s32 $0x180;
	s25 =	simm.s32 $0x80;
	s29 =	sadd.s32 $0x0, s24  }
.LBB2_16:
0xe7: {  	[tilespmem:s25], [sflag:$0x2] =	stream.linear.gather [hbm4b:s29+s4], $0x80, $0x38;
	[tilespmem:$0x6880] =	vst v63  }
0xe8: {  	s29 =	smov.u32 s26;
	s25 =	smov.u32 s28;
	p0 =	sne.s32 s26, $0x1F80  }
.Ltmp11:
0xe9: {  	s26 =	sadd.s32 $0x80, s26;
	(pc) =	sbr.rel @p0 .LBB2_16-.Ltmp11, $2  }
0xea: {  	_ =	sdelay $0x2  }
0xeb: {  	s28 =	sadd.s32 $0x100, s28;
	s29 =	sadd.s32 s29, s24  }
.Ltmp12:
0xec: {  	(pc) =	sbr.rel .LBB2_18-.Ltmp12, $2  }
0xed: {  	_ =	sdelay $0x2  }
0xee: {  	[tilespmem:s25], [sflag:$0x2] =	stream.linear.gather [hbm4b:s29+s4], $0x80, $0x38;
	[tilespmem:$0x6880] =	vst v63  }
.LBB2_20:
0xef: {  	_ =	sfence.sel $0x180000  }
0xf0: {  	[bflag:$0x0] =	sbarrier.arrive $0xFFFF  }
0xf1: {  	p0 =	sne.s32 s0, $0x0;
	_ =	strace $0x90000047  }
0xf2: {  	s0 =	sadd.s32 @!p0 $0x100000, s2;
	[bflag:$0x2] =	sbarrier.arrive $0xFFFF  }
0xf3: {  	[sflag:s0] =	ssyncadd.tile.s32 @!p0 $0x1;
	_ =	shalt  }
.Lfunc_end2:
_tile_overlayer_lowered:
.L_overlay_start_2:
0xf4: {  	(tag) =	ssettag $0x2  }
0xf5: {  	s0 =	rddreg [dreg:$0x0];
	s2 =	stileid.u32  }
0xf6: {  	s1 =	rddreg [dreg:$0x1];
	p0 =	sne.s32 s2, $0x0  }
0xf7: {  	s3 =	rddreg [dreg:$0x2];
	[bflag:$0x3] =	sbarrier.arrive $0xFFFF;
	s2 =	simm.s32 @!p0 $0x1C04  }
0xf8: {  	[timem:s3], [sflag:s2] =	dma.local @!p0 [hbm:s0], s1  }
0xf9: {  	s0 =	simm.s32 @!p0 $0x4  }
0xfa: {  	_ =	swait.ge @!p0 [sflag:s0], s1  }
0xfb: {  	s1 =	ssub.s32 @!p0 $0x0, s1;
	[sflag:s0] =	ssyncset.done @!p0 $0x0  }
0xfc: {  	[sflag:s0] =	ssyncadd.s32 @!p0 s1  }
0xfd: {  	[bflag:$0x3] =	sbarrier.arrive $0xFFFF  }
0xfe: {  	_ =	shalt  }

// kernel: _snap.8.cloned.1.call-start
scs
__scs_entry_jumppad:
0x0: {  	(pc) =	sbr.rel $0x88, $3  }
0x1: {  	(tag) =	ssettag $0x0;
	lr =	simm.s32 $0x1  }
0x2: {  	[smem:$0x3F9F] =	sst lr;
	_ =	strace $0xD0000000  }
0x3: {  	_ = 	snop  }
0x4: {  	_ = 	snop  }
0x5: {  	_ = 	snop  }
0x6: {  	_ = 	snop  }
0x7: {  	_ = 	snop  }
__scs_overlays_trampoline_lowered:
0x8: {  	[smem:$0x3FAE] =	sst s0  }
0x9: {  	[smem:$0x3FAF] =	sst s1  }
0xa: {  	[smem:$0x3FB0] =	sst s2  }
0xb: {  	[smem:$0x3FB1] =	sst s3  }
0xc: {  	[smem:$0x3FB2] =	sst s4  }
0xd: {  	[smem:$0x3FB3] =	sst s5  }
0xe: {  	[smem:$0x3FB4] =	sst s6  }
0xf: {  	[smem:$0x3FB5] =	sst s7  }
0x10: {  	[smem:$0x3FB6] =	sst s8  }
0x11: {  	[smem:$0x3FB7] =	sst s9;
	s0 =	simm.s32 @!p0 $0x0  }
0x12: {  	s1 =	sld [smem:$0x3F9D];
	s0 =	simm.s32 @p0 $0x1  }
0x13: {  	[smem:$0x3FB8] =	sst s0;
	s0 =	simm.s32 @!p1 $0x0  }
0x14: {  	s2 =	sld [smem:$0x3F9C];
	s0 =	simm.s32 @p1 $0x1  }
0x15: {  	[smem:$0x3FB9] =	sst s0;
	s0 =	simm.s32 @!p2 $0x0  }
0x16: {  	s3 =	sld [smem:$0x3FDB];
	s0 =	simm.s32 @p2 $0x1  }
0x17: {  	s4 =	simm.s32 $0x1BF5;
	[smem:$0x3FBB] =	sst s0  }
0x18: {  	s0 =	sld [smem:$0x3F9E];
	_ =	swait.ge [sflag:s4], $0x0  }
0x19: {  	s7 =	sld [smem:$0x3F9F]  }
0x1a: {  	s8 =	sadd.s32 $0xFFFFE003, lr  }
0x1b: {  	s9 =	sadd.s32 $0xFFFFFEF7, lr;
	s5 =	simm.s32 $0xFFFFFFFF;
	p2 =	slt.u32 s8, $0xFFFFF086  }
0x1c: {  	p1 =	slt.u32 s9, $0xF7A;
	s5 =	simm.s32 @!p2 $0x0  }
0x1d: {  	s5 =	simm.s32 @p1 $0x1;
	p0 =	seq.s32 s7, s2  }
0x1e: {  	s7 =	smul.u32 @!p0 $0xF7A, s2;
	p2 =	seq.s32 @!p0 s5, $0x0  }
0x1f: {  	s9 =	smul.u32 $0xF7A, s1;
	s8 =	simm.s32 @!p0 $0x1BF5;
	p2 =	por !p2, p0  }
0x20: {  	[sflag:s8] =	ssyncset.s32 @!p0 $0xFFFFF086;
	s6 =	sadd.s32 @!p0 s3, s7;
	s7 =	simm.s32 @!p0 $0x108  }
0x21: {  	s3 =	sadd.s32 s3, s9;
	s6 =	sadd.s32 @!p0 $0x88, s6;
	s7 =	simm.s32 @p2 $0x1082  }
0x22: {  	[simem:s7], [sflag:s8] =	dma.local @!p0 [hbm:s6], $0xF7A  }
0x23: {  	s9 =	sor.u32 $0xD0000000, s2;
	s6 =	simm.s32 $0x108;
	_ =	swait.ge @!p0 [sflag:s8], $0x0  }
0x24: {  	s3 =	sadd.s32 $0x88, s3;
	s6 =	simm.s32 @!p1 $0x1082;
	[sflag:s4] =	ssyncset.s32 $0xFFFFF086  }
0x25: {  	[simem:s6], [sflag:s4] =	dma.local [hbm:s3], $0xF7A  }
0x26: {  	[smem:$0x3F9F] =	sst s1;
	(tag) =	ssettag s2;
	_ =	strace s9  }
0x27: {  	s1 =	sld [smem:$0x3FAF]  }
0x28: {  	s2 =	sld [smem:$0x3FB0]  }
0x29: {  	s4 =	sld [smem:$0x3FB2]  }
0x2a: {  	p0 =	seq.s32 s5, $0x0;
	s5 =	sld [smem:$0x3FB3]  }
0x2b: {  	s6 =	sld [smem:$0x3FB4]  }
0x2c: {  	s7 =	sld [smem:$0x3FB5]  }
0x2d: {  	s3 =	simm.s32 $0x108;
	s8 =	sld [smem:$0x3FB6]  }
0x2e: {  	s3 =	simm.s32 @!p0 $0x1082;
	s9 =	sld [smem:$0x3FB7]  }
0x2f: {  	lr =	sadd.s32 s0, s3;
	s0 =	sld [smem:$0x3FAE]  }
0x30: {  	s3 =	sld [smem:$0x3FB1]  }
0x31: {  	[smem:$0x3FBA] =	sst s10  }
0x32: {  	s10 =	sld [smem:$0x3FB8];
	_ =	sdelay $0x3  }
0x33: {  	p0 =	seq.s32 s10, $0x1;
	s10 =	sld [smem:$0x3FBA];
	_ =	sdelay $0x3  }
0x34: {  	[smem:$0x3FBA] =	sst s10  }
0x35: {  	s10 =	sld [smem:$0x3FB9];
	_ =	sdelay $0x3  }
0x36: {  	p1 =	seq.s32 s10, $0x1;
	s10 =	sld [smem:$0x3FBA];
	_ =	sdelay $0x3  }
0x37: {  	[smem:$0x3FBA] =	sst s10  }
0x38: {  	s10 =	sld [smem:$0x3FBB]  }
0x39: {  	_ = 	snop;
	(pc) =	sbr.ind lr, $3  }
0x3a: {  	_ = 	snop  }
0x3b: {  	_ = 	snop  }
0x3c: {  	p2 =	seq.s32 s10, $0x1;
	s10 =	sld [smem:$0x3FBA]  }
0x3d: {  	_ =	shalt  }
0x3e: {  	_ =	shalt  }
0x3f: {  	_ =	shalt  }
0x40: {  	_ =	shalt  }
0x41: {  	_ =	shalt  }
0x42: {  	_ =	shalt  }
0x43: {  	_ =	shalt  }
0x44: {  	_ =	shalt  }
0x45: {  	_ =	shalt  }
0x46: {  	_ =	shalt  }
0x47: {  	_ =	shalt  }
0x48: {  	_ =	shalt  }
0x49: {  	_ =	shalt  }
0x4a: {  	_ =	shalt  }
0x4b: {  	_ =	shalt  }
0x4c: {  	_ =	shalt  }
0x4d: {  	_ =	shalt  }
0x4e: {  	_ =	shalt  }
0x4f: {  	_ =	shalt  }
0x50: {  	_ =	shalt  }
0x51: {  	_ =	shalt  }
0x52: {  	_ =	shalt  }
0x53: {  	_ =	shalt  }
0x54: {  	_ =	shalt  }
0x55: {  	_ =	shalt  }
0x56: {  	_ =	shalt  }
0x57: {  	_ =	shalt  }
0x58: {  	_ =	shalt  }
0x59: {  	_ =	shalt  }
0x5a: {  	_ =	shalt  }
0x5b: {  	_ =	shalt  }
0x5c: {  	_ =	shalt  }
0x5d: {  	_ =	shalt  }
0x5e: {  	_ =	shalt  }
0x5f: {  	_ =	shalt  }
0x60: {  	_ =	shalt  }
0x61: {  	_ =	shalt  }
0x62: {  	_ =	shalt  }
0x63: {  	_ =	shalt  }
0x64: {  	_ =	shalt  }
0x65: {  	_ =	shalt  }
0x66: {  	_ =	shalt  }
0x67: {  	_ =	shalt  }
0x68: {  	_ =	shalt  }
0x69: {  	_ =	shalt  }
0x6a: {  	_ =	shalt  }
0x6b: {  	_ =	shalt  }
0x6c: {  	_ =	shalt  }
0x6d: {  	_ =	shalt  }
0x6e: {  	_ =	shalt  }
0x6f: {  	_ =	shalt  }
0x70: {  	_ =	shalt  }
0x71: {  	_ =	shalt  }
0x72: {  	_ =	shalt  }
0x73: {  	_ =	shalt  }
0x74: {  	_ =	shalt  }
0x75: {  	_ =	shalt  }
0x76: {  	_ =	shalt  }
0x77: {  	_ =	shalt  }
0x78: {  	_ =	shalt  }
0x79: {  	_ =	shalt  }
0x7a: {  	_ =	shalt  }
0x7b: {  	_ =	shalt  }
0x7c: {  	_ =	shalt  }
0x7d: {  	_ =	shalt  }
0x7e: {  	_ =	shalt  }
0x7f: {  	_ =	shalt  }
0x80: {  	_ =	shalt  }
0x81: {  	_ =	shalt  }
0x82: {  	_ =	shalt  }
0x83: {  	_ =	shalt  }
0x84: {  	_ =	shalt  }
0x85: {  	_ =	shalt  }
0x86: {  	_ =	shalt  }
0x87: {  	_ =	shalt  }
.Lfunc_end0:
.L_simem_size_0:
called_computation.1_lowered:
.L_overlay_start_0:
0x88: {  	s2 =	sld [smem:$0x3FD9]  }
0x89: {  	s3 =	sld [smem:$0x3FFE];
	_ =	sdelay $0x1  }
0x8a: {  	s1 =	srdreg.scid  }
0x8b: {  	s0 =	sand.u32 $0x1, s1  }
0x8c: {  	s17 =	sshll.u32 s0, $0xA;
	s2 =	sadd.s32 s3, s2  }
0x8d: {  	s2 =	sadd.s32 s2, s17  }
0x8e: {  	[smem:$0x3FC6] =	sst s2  }
0x8f: {  	_ = 	snop  }
0x90: {  	s2 =	sld [smem:$0x3FC8]  }
0x91: {  	s18 =	sld [smem:$0x3FD0];
	(tm) =	ssettm $0x1  }
0x92: {  	s4 =	sld [smem:$0x3FFB];
	_ =	sdelay $0x3  }
0x93: {  	_ =	strace s4  }
0x94: {  	s4 =	sld [smem:$0x3FFC];
	_ =	sdelay $0x3  }
0x95: {  	_ =	strace s4  }
0x96: {  	s4 =	sld [smem:$0x3FFD];
	_ =	sdelay $0x3  }
0x97: {  	_ =	strace s4  }
0x98: {  	_ =	strace $0x8FFFFFFF  }
0x99: {  	s19 =	sld [smem:$0x3FDB];
	_ =	sdelay $0x1  }
0x9a: {  	s5 =	simm.s32 $_scs_section_size  }
0x9b: {  	s6 =	simm.s32 $_size__tile_overlayer_lowered;
	s7 =	simm.s32 $_tile_overlayer_lowered  }
0x9c: {  	s22 =	simm.s32 $0x1BFF;
	s21 =	sshll.u32 s7, $0x1;
	s4 =	sadd.s32 s5, s19  }
0x9d: {  	s8 =	simm.s32 $0x0;
	s20 =	sshll.u32 s6, $0x1;
	s6 =	sadd.s32 s21, s4  }
0x9e: {  	[timem:s8], [sflag:s22] =	dma.local [hbm:s6], s20  }
0x9f: {  	_ =	swait.ge [sflag:s22], s20  }
0xa0: {  	s5 =	ssub.s32 $0x0, s20;
	[sflag:s22] =	ssyncset.done $0x0  }
0xa1: {  	[sflag:s22] =	ssyncadd.s32 s5;
	_ =	sdelay $0x1  }
0xa2: {  	s23 =	simm.s32 $0x1B8B  }
0xa3: {  	_ =	swait.ge [sflag:s23], $0x1  }
0xa4: {  	[sflag:s23] =	ssyncset.done $0x0  }
0xa5: {  	s25 =	simm.s32 $0x1B8E;
	s24 =	sld [smem:$0x3FFE];
	[sflag:s23] =	ssyncadd.s32 $0xFFFFFFFF  }
0xa6: {  	s26 =	simm.s32 $execute0_lowered;
	[smem:$0x3FD2] =	sst s25  }
0xa7: {  	s6 =	sshll.u32 s26, $0x1;
	_ =	strace $0x80000049;
	[dreg:$0x1] =	wrdreg $0xFFFFFFFF  }
0xa8: {  	s28 =	simm.s32 $_size_execute0_lowered;
	s4 =	sadd.s32 s4, s6;
	[dreg:$0x0] =	wrdreg $0x0  }
0xa9: {  	s6 =	sshll.u32 s28, $0x1;
	[dreg:$0x2] =	wrdreg s4  }
0xaa: {  	[dreg:$0x3] =	wrdreg s6  }
0xab: {  	[dreg:$0x4] =	wrdreg $0xC0  }
0xac: {  	_ =	task [dreg:s8], $0x5FFFF  }
0xad: {  	[dreg:$0x1] =	wrdreg $0xFFFFFFFF  }
0xae: {  	[dreg:$0x0] =	wrdreg $0x60  }
0xaf: {  	[dreg:$0x2] =	wrdreg s24  }
0xb0: {  	[dreg:$0x3] =	wrdreg s2  }
0xb1: {  	[dreg:$0x4] =	wrdreg s18  }
0xb2: {  	[dreg:$0x5] =	wrdreg $0x9  }
0xb3: {  	_ =	task.clear_ibuf [dreg:s8], $0x6FFFF;
	_ =	strace $0x90000049  }
0xb4: {  	s29 =	simm.s32 $0x9;
	_ =	strace $0x8000004B  }
0xb5: {  	_ =	swait.ge [sflag:s29], $0x1  }
0xb6: {  	[sflag:s29] =	ssyncadd.s32 $0xFFFFFFFF  }
0xb7: {  	_ =	strace $0x9000004B  }
0xb8: {  	_ =	sfence  }
0xb9: {  	s30 =	sld [smem:$0x0];
	_ =	sdelay $0x2  }
0xba: {  	s31 =	sshll.u32 s1, $0xD;
	s1 =	sshrl.u32 s1, $0x2  }
0xbb: {  	s3 =	sand.u32 $0x4000, s31;
	s1 =	sadd.s32 s1, s30  }
0xbc: {  	s0 =	sor.u32 s3, s0;
	s1 =	sshll.u32 s1, $0x11  }
0xbd: {  	s0 =	sor.u32 s1, s0  }
0xbe: {  	s0 =	sadd.s32 $0x8F2B, s0  }
0xbf: {  	[sflag:s0] =	ssyncadd.remote.s32 $0x1  }
0xc0: {  	_ =	sfence.sel $0xFFFF  }
0xc1: {  	[dreg:$0x0] =	wrdreg $0xFFFFFFFF;
	(pc) =	sbr.abs _section_cstart, $3  }
0xc2: {  	[dreg:$0x1] =	wrdreg $0xFFFFFFFF  }
0xc3: {  	_ =	task.clear_ibuf [dreg:s8], $0x2FFFF;
	_ =	strace $0x9FFFFFFF  }
0xc4: {  	(tm) =	ssettm $0x7FFFFFFF  }
0xc5: {  	_ =	shalt  }
tec
execute0_lowered:
.L_overlay_start_1:
0x0: {  	(tag) =	ssettag $0x1  }
0x1: {  	s4 =	rddreg [dreg:$0x0]  }
0x2: {  	s2 =	rddreg [dreg:$0x1];
	s1 =	srdreg.scid  }
0x3: {  	s0 =	stileid.u32;
	s5 =	rddreg [dreg:$0x2];
	s10 =	simm.s32 $0x1080  }
0x4: {  	s11 =	simm.s32 $0x1880;
	s12 =	simm.s32 $0x2080;
	s13 =	simm.s32 $0x2880  }
0x5: {  	s14 =	simm.s32 $0x3080;
	s15 =	simm.s32 $0x3880;
	s16 =	simm.s32 $0x4080  }
0x6: {  	s17 =	simm.s32 $0x4880;
	s18 =	simm.s32 $0x5080;
	s19 =	simm.s32 $0x5880  }
0x7: {  	s20 =	simm.s32 $0x6080;
	s6 =	sand.u32 $0x1, s1;
	s3 =	sshll.u32 s0, $0x1  }
0x8: {  	s21 =	simm.s32 $0x1;
	s1 =	rddreg [dreg:$0x3];
	s7 =	sor.u32 s6, s3  }
0x9: {  	s3 =	simm.s32 $0x0;
	s6 =	ssub.s32 $0x2, s6;
	s8 =	smul.u32 $0xD, s7  }
0xa: {  	[smem:$0x7FF] =	sst s3;
	s9 =	sshrl.u32 s6, $0x1;
	s7 =	smul.u32 $0xD00, s7  }
0xb: {  	v2 =	vlaneseq.u32;
	_ =	strace $0x8000004A;
	s6 =	ssub.s32 s6, s9;
	s9 =	simm.s32 $0x880  }
0xc: {  	vm0 =	vmmov $0xffff;
	v1 =	vshrl.u32 v2, $0x3;
	s4 =	sadd.s32 s8, s4;
	s5 =	sadd.s32 s5, s7;
	s6 =	smax.u32 s6, $0x1  }
0xd: {  	v0 =	vand.u32 $0x7, v2;
	v2 =	vor.u32 $0x8, v2;
	v1 =	vmul.u32 $0x8, v1;
	s7 =	simm.s32 $0x2;
	s8 =	simm.s32 $0x80;
	s4 =	sadd.s32 $0x400, s4  }
.LBB2_1:
0xe: {  	[tilespmem:s3], [sflag:$0x2] =	stream.linear.gather [hbm4b:s4+s3], $0x68, $0x38;
	[tilespmem:$0x6880] =	vst v63  }
0xf: {  	_ =	swait.ge [sflag:s7], $0x68  }
0x10: {  	[sflag:s7] =	ssyncset.done $0x0  }
0x11: {  	[sflag:s7] =	ssyncadd.s32 $0xFFFFFF98  }
0x12: {  	v3 =	vld [tilespmem:$0x0];
	_ =	sdelay $0x4  }
0x13: {  	v4 =	vshll.u32 v3, $0x1  }
0x14: {  	v3 =	vand.u32 $0x7, v3;
	v4 =	vand.u32 $0xFFFFFFF0, v4  }
0x15: {  	v3 =	vor.u32 v3, v4  }
0x16: {  	v4 =	vperm.xlane v3, v0;
	_ =	sdelay $0x1  }
0x17: {  	v3 =	vperm.xlane v3, v2;
	v4 =	vadd.s32 v1, v4;
	_ =	sdelay $0x1  }
0x18: {  	v3 =	vadd.s32 v1, v3;
	_ =	sdelay $0x2  }
0x19: {  	[tilespmem:s8], [sflag:$0x1] =	stream.indirect_vreg.gather [hbm4b:s2+s3], $0x80, v4, vm0, $0xb8;
	[tilespmem:$0x6880] =	vst v63  }
0x1a: {  	_ = 	snop  }
0x1b: {  	[tilespmem:s9], [sflag:$0x1] =	stream.indirect_vreg.gather [hbm4b:s2+s3], $0x80, v3, vm0, $0xb8;
	[tilespmem:$0x6880] =	vst v63  }
0x1c: {  	v3 =	vld [tilespmem:$0x10];
	_ =	sdelay $0x4  }
0x1d: {  	v58 =	vshll.u32 v3, $0x1  }
0x1e: {  	v3 =	vand.u32 $0x7, v3;
	v4 =	vand.u32 $0xFFFFFFF0, v58  }
0x1f: {  	v3 =	vor.u32 v3, v4  }
0x20: {  	v4 =	vperm.xlane v3, v0;
	_ =	sdelay $0x1  }
0x21: {  	v3 =	vperm.xlane v3, v2;
	v4 =	vadd.s32 v1, v4;
	_ =	sdelay $0x1  }
0x22: {  	v3 =	vadd.s32 v1, v3;
	_ =	sdelay $0x2  }
0x23: {  	[tilespmem:s10], [sflag:$0x1] =	stream.indirect_vreg.gather [hbm4b:s2+s3], $0x80, v4, vm0, $0xb8;
	[tilespmem:$0x6880] =	vst v63  }
0x24: {  	_ = 	snop  }
0x25: {  	[tilespmem:s11], [sflag:$0x1] =	stream.indirect_vreg.gather [hbm4b:s2+s3], $0x80, v3, vm0, $0xb8;
	[tilespmem:$0x6880] =	vst v63  }
0x26: {  	v3 =	vld [tilespmem:$0x20];
	_ =	sdelay $0x4  }
0x27: {  	v59 =	vshll.u32 v3, $0x1  }
0x28: {  	v3 =	vand.u32 $0x7, v3;
	v4 =	vand.u32 $0xFFFFFFF0, v59  }
0x29: {  	v3 =	vor.u32 v3, v4  }
0x2a: {  	v4 =	vperm.xlane v3, v0;
	_ =	sdelay $0x1  }
0x2b: {  	v3 =	vperm.xlane v3, v2;
	v4 =	vadd.s32 v1, v4;
	_ =	sdelay $0x1  }
0x2c: {  	v3 =	vadd.s32 v1, v3;
	_ =	sdelay $0x2  }
0x2d: {  	[tilespmem:s12], [sflag:$0x1] =	stream.indirect_vreg.gather [hbm4b:s2+s3], $0x80, v4, vm0, $0xb8;
	[tilespmem:$0x6880] =	vst v63  }
0x2e: {  	_ = 	snop  }
0x2f: {  	[tilespmem:s13], [sflag:$0x1] =	stream.indirect_vreg.gather [hbm4b:s2+s3], $0x80, v3, vm0, $0xb8;
	[tilespmem:$0x6880] =	vst v63  }
0x30: {  	v3 =	vld [tilespmem:$0x30];
	_ =	sdelay $0x4  }
0x31: {  	v60 =	vshll.u32 v3, $0x1  }
0x32: {  	v3 =	vand.u32 $0x7, v3;
	v4 =	vand.u32 $0xFFFFFFF0, v60  }
0x33: {  	v3 =	vor.u32 v3, v4  }
0x34: {  	v4 =	vperm.xlane v3, v0;
	_ =	sdelay $0x1  }
0x35: {  	v3 =	vperm.xlane v3, v2;
	v4 =	vadd.s32 v1, v4;
	_ =	sdelay $0x1  }
0x36: {  	v3 =	vadd.s32 v1, v3;
	_ =	sdelay $0x2  }
0x37: {  	[tilespmem:s14], [sflag:$0x1] =	stream.indirect_vreg.gather [hbm4b:s2+s3], $0x80, v4, vm0, $0xb8;
	[tilespmem:$0x6880] =	vst v63  }
0x38: {  	_ = 	snop  }
0x39: {  	[tilespmem:s15], [sflag:$0x1] =	stream.indirect_vreg.gather [hbm4b:s2+s3], $0x80, v3, vm0, $0xb8;
	[tilespmem:$0x6880] =	vst v63  }
0x3a: {  	v3 =	vld [tilespmem:$0x40];
	_ =	sdelay $0x4  }
0x3b: {  	v61 =	vshll.u32 v3, $0x1  }
0x3c: {  	v3 =	vand.u32 $0x7, v3;
	v4 =	vand.u32 $0xFFFFFFF0, v61  }
0x3d: {  	v3 =	vor.u32 v3, v4  }
0x3e: {  	v4 =	vperm.xlane v3, v0;
	_ =	sdelay $0x1  }
0x3f: {  	v3 =	vperm.xlane v3, v2;
	v4 =	vadd.s32 v1, v4;
	_ =	sdelay $0x1  }
0x40: {  	v3 =	vadd.s32 v1, v3;
	_ =	sdelay $0x2  }
0x41: {  	[tilespmem:s16], [sflag:$0x1] =	stream.indirect_vreg.gather [hbm4b:s2+s3], $0x80, v4, vm0, $0xb8;
	[tilespmem:$0x6880] =	vst v63  }
0x42: {  	_ = 	snop  }
0x43: {  	[tilespmem:s17], [sflag:$0x1] =	stream.indirect_vreg.gather [hbm4b:s2+s3], $0x80, v3, vm0, $0xb8;
	[tilespmem:$0x6880] =	vst v63  }
0x44: {  	v3 =	vld [tilespmem:$0x50];
	_ =	sdelay $0x4  }
0x45: {  	v62 =	vshll.u32 v3, $0x1  }
0x46: {  	v3 =	vand.u32 $0x7, v3;
	v4 =	vand.u32 $0xFFFFFFF0, v62  }
0x47: {  	v3 =	vor.u32 v3, v4  }
0x48: {  	v4 =	vperm.xlane v3, v0;
	_ =	sdelay $0x1  }
0x49: {  	v3 =	vperm.xlane v3, v2;
	v4 =	vadd.s32 v1, v4;
	_ =	sdelay $0x1  }
0x4a: {  	v3 =	vadd.s32 v1, v3;
	_ =	sdelay $0x2  }
0x4b: {  	[tilespmem:s18], [sflag:$0x1] =	stream.indirect_vreg.gather [hbm4b:s2+s3], $0x80, v4, vm0, $0xb8;
	[tilespmem:$0x6880] =	vst v63  }
0x4c: {  	_ = 	snop  }
0x4d: {  	[tilespmem:s19], [sflag:$0x1] =	stream.indirect_vreg.gather [hbm4b:s2+s3], $0x80, v3, vm0, $0xb8;
	[tilespmem:$0x6880] =	vst v63  }
0x4e: {  	v3 =	vld.msk [tilespmem:$0x60], $0xff;
	_ =	sdelay $0x4  }
0x4f: {  	v63 =	vshll.u32 v3, $0x1  }
0x50: {  	v3 =	vand.u32 $0x7, v3;
	v4 =	vand.u32 $0xFFFFFFF0, v63  }
0x51: {  	v3 =	vor.u32 v3, v4  }
0x52: {  	v3 =	vperm.xlane v3, v0;
	_ =	sdelay $0x1  }
0x53: {  	v3 =	vadd.s32 v1, v3;
	_ =	sdelay $0x4  }
0x54: {  	[tilespmem:s20], [sflag:$0x1] =	stream.indirect_vreg.gather [hbm4b:s2+s3], $0x80, v3, vm0, $0xb8;
	[tilespmem:$0x6880] =	vst v63  }
0x55: {  	_ =	swait.ge [sflag:s21], $0x6800  }
0x56: {  	p0 =	sne.s32 s6, $0x1;
	[sflag:s21] =	ssyncset.done $0x0  }
.Ltmp0:
0x57: {  	[sflag:s21] =	ssyncadd.s32 $0xFFFF9800;
	(pc) =	sbr.rel @p0 .LBB2_1-.Ltmp0, $4  }
0x58: {  	[hbm4b:s5+s3] =	stream.linear.scatter [tilespmem:s8], [sflag:$0x2], $0x6800, $0x38;
	[tilespmem:$0x6880] =	vst v63  }
0x59: {  	_ =	swait.ge [sflag:s7], $0x6800  }
0x5a: {  	[sflag:s7] =	ssyncset.done $0x0  }
0x5b: {  	s6 =	sadd.s32 $0xFFFFFFFF, s6;
	[sflag:s7] =	ssyncadd.s32 $0xFFFF9800  }
0x5c: {  	_ =	sfence.sel $0x180000  }
0x5d: {  	[bflag:$0x0] =	sbarrier.arrive $0xFFFF  }
0x5e: {  	p0 =	sne.s32 s0, $0x0;
	_ =	strace $0x9000004A  }
0x5f: {  	s0 =	sadd.s32 @!p0 $0x100000, s1;
	[bflag:$0x2] =	sbarrier.arrive $0xFFFF  }
0x60: {  	[sflag:s0] =	ssyncadd.tile.s32 @!p0 $0x1;
	_ =	shalt  }
.Lfunc_end2:
_tile_overlayer_lowered:
.L_overlay_start_2:
0x61: {  	(tag) =	ssettag $0x2  }
0x62: {  	s0 =	rddreg [dreg:$0x0];
	s2 =	stileid.u32  }
0x63: {  	s1 =	rddreg [dreg:$0x1];
	p0 =	sne.s32 s2, $0x0  }
0x64: {  	s3 =	rddreg [dreg:$0x2];
	[bflag:$0x3] =	sbarrier.arrive $0xFFFF;
	s2 =	simm.s32 @!p0 $0x1C02  }
0x65: {  	[timem:s3], [sflag:s2] =	dma.local @!p0 [hbm:s0], s1  }
0x66: {  	s0 =	simm.s32 @!p0 $0x2  }
0x67: {  	_ =	swait.ge @!p0 [sflag:s0], s1  }
0x68: {  	s1 =	ssub.s32 @!p0 $0x0, s1;
	[sflag:s0] =	ssyncset.done @!p0 $0x0  }
0x69: {  	[sflag:s0] =	ssyncadd.s32 @!p0 s1  }
0x6a: {  	[bflag:$0x3] =	sbarrier.arrive $0xFFFF  }
0x6b: {  	_ =	shalt  }

</sc_bundles>
